<compile_context>
chip_gen: v7x
topology: tpu7x:2x2x1
jax: 0.10.2.dev20260603
libtpu: 0.0.44.dev20260713+nightly
codegen_flags: <defaults>
</compile_context>

<pallas_src>
import jax
import jax.numpy as jnp
from jax import lax
from jax.experimental import pallas as pl
from jax.experimental.pallas import tpu as pltpu
from jax.experimental.pallas import tpu_sc as plsc

N = 10000
E = 320000
G = 256
F_IN = 128
H = 64
OUT = 2

NC = 2
NS = 16
CH = 128
N_P = 10240
ROWS = N_P // NS
K_E = 158
K_G = K_E + 2
E_P = NS * K_E * CH
K_B = N_P // (NS * CH)
G_P = 264
DW = 8
EPS = 1e-5

_MESH = plsc.VectorSubcoreMesh(
    core_axis_name="core", subcore_axis_name="sub",
    num_cores=NC, num_subcores=NS)

_SC_PARAMS = pltpu.CompilerParams(use_tc_tiling_on_sc=False)

_f32 = jnp.float32


def _sds(shape):
    return jax.ShapeDtypeStruct(shape, _f32)


def _sc_deg_body(dst_c3, dst_s3, ones_h, zeros_h,
                 deg_c_o, deg_s_o,
                 acc_deg, idx_e, ones_v):
    cid = lax.axis_index("core")
    sid = lax.axis_index("sub")

    pltpu.sync_copy(zeros_h.at[pl.ds(sid * ROWS, ROWS)],
                    acc_deg.at[pl.ds(sid * ROWS, ROWS)])

    pltpu.sync_copy(ones_h, ones_v)

    @pl.when(cid == 0)
    def _():
        pltpu.sync_copy(dst_c3.at[sid], idx_e)

    @pl.when(cid == 1)
    def _():
        pltpu.sync_copy(dst_s3.at[sid], idx_e)

    plsc.subcore_barrier()

    def edge_body(j, c):
        pltpu.sync_copy(ones_v, acc_deg.at[idx_e.at[j]], add=True)
        return c

    lax.fori_loop(0, K_E, edge_body, 0)

    plsc.subcore_barrier()

    @pl.when(cid == 0)
    def _():
        pltpu.sync_copy(acc_deg.at[pl.ds(sid * ROWS, ROWS)],
                        deg_c_o.at[pl.ds(sid * ROWS, ROWS)])

    @pl.when(cid == 1)
    def _():
        pltpu.sync_copy(acc_deg.at[pl.ds(sid * ROWS, ROWS)],
                        deg_s_o.at[pl.ds(sid * ROWS, ROWS)])


_sc_deg = pl.kernel(
    _sc_deg_body,
    out_type=(_sds((N_P, DW)), _sds((N_P, DW))),
    mesh=_MESH,
    compiler_params=_SC_PARAMS,
    scratch_types=[
        pltpu.VMEM_SHARED((N_P, DW), _f32),
        pltpu.VMEM((K_E, CH), jnp.int32),
        pltpu.VMEM((CH, DW), _f32),
    ],
)


def _sc_agg_body(y_c, y_s, src_c3, dst_c3, src_s3, dst_s3,
                 agg_c_o, agg_s_o,
                 acc, src_v, dst_v, rows_0, rows_1, sem0, sem1):
    cid = lax.axis_index("core")
    sid = lax.axis_index("sub")

    @pl.when(cid == 0)
    def _():
        pltpu.sync_copy(y_c.at[pl.ds(sid * ROWS, ROWS)],
                        acc.at[pl.ds(sid * ROWS, ROWS)])
        pltpu.sync_copy(src_c3.at[sid], src_v)
        pltpu.sync_copy(dst_c3.at[sid], dst_v)

    @pl.when(cid == 1)
    def _():
        pltpu.sync_copy(y_s.at[pl.ds(sid * ROWS, ROWS)],
                        acc.at[pl.ds(sid * ROWS, ROWS)])
        pltpu.sync_copy(src_s3.at[sid], src_v)
        pltpu.sync_copy(dst_s3.at[sid], dst_v)

    plsc.subcore_barrier()

    def run(y_ref):
        dummy = y_ref.at[pl.ds(0, CH)]

        pltpu.async_copy(y_ref.at[src_v.at[0]], rows_0, sem0)

        def body(t, c):
            pltpu.async_copy(y_ref.at[src_v.at[2 * t + 1]], rows_1, sem1)
            pltpu.make_async_copy(dummy, rows_0, sem0).wait()
            pltpu.sync_copy(rows_0, acc.at[dst_v.at[2 * t]], add=True)
            pltpu.async_copy(y_ref.at[src_v.at[2 * t + 2]], rows_0, sem0)
            pltpu.make_async_copy(dummy, rows_1, sem1).wait()
            pltpu.sync_copy(rows_1, acc.at[dst_v.at[2 * t + 1]], add=True)
            return c

        lax.fori_loop(0, K_E // 2, body, 0)
        pltpu.make_async_copy(dummy, rows_0, sem0).wait()

    @pl.when(cid == 0)
    def _():
        run(y_c)

    @pl.when(cid == 1)
    def _():
        run(y_s)

    plsc.subcore_barrier()

    @pl.when(cid == 0)
    def _():
        pltpu.sync_copy(acc.at[pl.ds(sid * ROWS, ROWS)],
                        agg_c_o.at[pl.ds(sid * ROWS, ROWS)])

    @pl.when(cid == 1)
    def _():
        pltpu.sync_copy(acc.at[pl.ds(sid * ROWS, ROWS)],
                        agg_s_o.at[pl.ds(sid * ROWS, ROWS)])


_sc_agg = pl.kernel(
    _sc_agg_body,
    out_type=(_sds((N_P, H)), _sds((N_P, H))),
    mesh=_MESH,
    compiler_params=_SC_PARAMS,
    scratch_types=[
        pltpu.VMEM_SHARED((N_P, H), _f32),
        pltpu.VMEM((K_G, CH), jnp.int32),
        pltpu.VMEM((K_E, CH), jnp.int32),
        pltpu.VMEM((CH, H), _f32),
        pltpu.VMEM((CH, H), _f32),
        pltpu.SemaphoreType.DMA,
        pltpu.SemaphoreType.DMA,
    ],
)


def _tc_scale_body(deg_c_r, x_c_r, w_c_r, deg_s_r, x_s_r, w_s_r,
                   y_c_o, dinv_c_o, y_s_o, dinv_s_o):
    for deg_r, x_r, w_r, y_o, dinv_o in (
            (deg_c_r, x_c_r, w_c_r, y_c_o, dinv_c_o),
            (deg_s_r, x_s_r, w_s_r, y_s_o, dinv_s_o)):
        dinv = lax.rsqrt(deg_r[:, 0:1] + 1.0)
        dinv_o[...] = dinv
        y_o[0:N] = jnp.dot(x_r[...], w_r[...],
                           preferred_element_type=_f32) * dinv[0:N]
        y_o[N:N_P] = jnp.zeros((N_P - N, H), _f32)


_tc_scale = pl.pallas_call(
    _tc_scale_body,
    out_shape=(_sds((N_P, H)), _sds((N_P, 1)), _sds((N_P, H)), _sds((N_P, 1))),
)


def _bn_relu(z, g, be):
    zr = z[:N]
    mu = jnp.mean(zr, axis=0, keepdims=True)
    var = jnp.mean((zr - mu) ** 2, axis=0, keepdims=True)
    return jnp.maximum((z - mu) * lax.rsqrt(var + EPS) * g + be, 0.0)


def _tc_mid_body(agg_c_r, dinv_c_r, g_c_r, be_c_r, w_c_r,
                 agg_s_r, dinv_s_r, g_s_r, be_s_r, w_s_r,
                 y2_c_o, y2_s_o):
    for agg_r, dinv_r, g_r, be_r, w_r, y2_o in (
            (agg_c_r, dinv_c_r, g_c_r, be_c_r, w_c_r, y2_c_o),
            (agg_s_r, dinv_s_r, g_s_r, be_s_r, w_s_r, y2_s_o)):
        dinv = dinv_r[...]
        h = _bn_relu(agg_r[...] * dinv, g_r[...], be_r[...])
        y2_o[...] = jnp.dot(h, w_r[...], preferred_element_type=_f32) * dinv


_tc_mid = pl.pallas_call(
    _tc_mid_body,
    out_shape=(_sds((N_P, H)), _sds((N_P, H))),
)


def _tc_tail_body(agg_c_r, dinv_c_r, g_c_r, be_c_r,
                  agg_s_r, dinv_s_r, g_s_r, be_s_r,
                  bat_c_r, bat_s_r,
                  wf1_r, bf1_r, wf2_r, bf2_r, out_o):
    iota_g = lax.broadcasted_iota(jnp.int32, (G, N_P), 0)
    pools = []
    for agg_r, dinv_r, g_r, be_r, bat_r in (
            (agg_c_r, dinv_c_r, g_c_r, be_c_r, bat_c_r),
            (agg_s_r, dinv_s_r, g_s_r, be_s_r, bat_s_r)):
        h2 = _bn_relu(agg_r[...] * dinv_r[...], g_r[...], be_r[...])
        m = jnp.where(bat_r[...] == iota_g, 1.0, 0.0)
        sums = jnp.dot(m, h2, preferred_element_type=_f32,
                       precision=lax.Precision.HIGHEST)
        cnt = jnp.sum(m, axis=1, keepdims=True)
        pools.append(sums / jnp.maximum(cnt, 1.0))
    xcat = jnp.concatenate(pools, axis=1)
    hh = jnp.maximum(
        jnp.dot(xcat, wf1_r[...], preferred_element_type=_f32) + bf1_r[...],
        0.0)
    out_o[...] = jnp.dot(hh, wf2_r[...], preferred_element_type=_f32) + bf2_r[...]


_tc_tail = pl.pallas_call(
    _tc_tail_body,
    out_shape=_sds((G, OUT)),
)


def kernel(x_c, edge_index_c, batch_c, x_s, edge_index_s, batch_s,
           W1_c, b1_c, g1_c, be1_c, W2_c, b2_c, g2_c, be2_c,
           W1_s, b1_s, g1_s, be1_s, W2_s, b2_s, g2_s, be2_s,
           Wf1, bf1, Wf2, bf2):
    def edges3(ei):
        src = jnp.pad(ei[0], (0, E_P - E)).reshape(NS, K_E, CH)
        src = jnp.pad(src, ((0, 0), (0, K_G - K_E), (0, 0)))
        dst = jnp.pad(ei[1], (0, E_P - E), constant_values=N).reshape(NS, K_E, CH)
        return src, dst

    src_c3, dst_c3 = edges3(edge_index_c)
    src_s3, dst_s3 = edges3(edge_index_s)
    bat_c2 = jnp.pad(batch_c, (0, N_P - N), constant_values=G).reshape(1, N_P)
    bat_s2 = jnp.pad(batch_s, (0, N_P - N), constant_values=G).reshape(1, N_P)

    ones_h = jnp.ones((CH, DW), _f32)
    zeros_deg = jnp.zeros((N_P, DW), _f32)

    deg_c, deg_s = _sc_deg(dst_c3, dst_s3, ones_h, zeros_deg)

    y1_c, dinv_c, y1_s, dinv_s = _tc_scale(
        deg_c, x_c, W1_c, deg_s, x_s, W1_s)

    agg1_c, agg1_s = _sc_agg(y1_c, y1_s, src_c3, dst_c3, src_s3, dst_s3)

    g1_c2, be1_c2 = g1_c.reshape(1, H), be1_c.reshape(1, H)
    g1_s2, be1_s2 = g1_s.reshape(1, H), be1_s.reshape(1, H)
    g2_c2, be2_c2 = g2_c.reshape(1, H), be2_c.reshape(1, H)
    g2_s2, be2_s2 = g2_s.reshape(1, H), be2_s.reshape(1, H)

    y2_c, y2_s = _tc_mid(
        agg1_c, dinv_c, g1_c2, be1_c2, W2_c,
        agg1_s, dinv_s, g1_s2, be1_s2, W2_s)

    agg2_c, agg2_s = _sc_agg(y2_c, y2_s, src_c3, dst_c3, src_s3, dst_s3)

    return _tc_tail(
        agg2_c, dinv_c, g2_c2, be2_c2,
        agg2_s, dinv_s, g2_s2, be2_s2,
        bat_c2, bat_s2,
        Wf1, bf1.reshape(1, H), Wf2, bf2.reshape(1, OUT))

# --- scband reference (transcript-rebuilt; emitter-appended) ---
"""Pipeline reference for scband-dual-gnn-90494960926814 (READ-ONLY COPY).

The authoritative reference and input builder live on the scoring server;
editing this copy changes nothing except your own understanding.
"""

import jax, jax.numpy as jnp
import numpy as np

N = 10000
E = 320000
G = 256
F_IN = 128
H = 64
OUT = 2


def gcn_conv(x, edge_index, W, b):
    n = x.shape[0]
    loop = jnp.arange(n, dtype=edge_index.dtype)
    src = jnp.concatenate([edge_index[0], loop])
    dst = jnp.concatenate([edge_index[1], loop])
    xw = x @ W
    deg = jax.ops.segment_sum(jnp.ones(src.shape[0], dtype=xw.dtype), dst, num_segments=n)
    dinv = jnp.where(deg > 0, jax.lax.rsqrt(jnp.maximum(deg, 1e-12)), 0.0)
    norm = dinv[src] * dinv[dst]
    msg = xw[src] * norm[:, None]
    out = jax.ops.segment_sum(msg, dst, num_segments=n)
    return out + b


def batch_norm(x, g, b, eps=1e-5):
    mu = jnp.mean(x, axis=0)
    var = jnp.mean((x - mu) ** 2, axis=0)
    return (x - mu) * jax.lax.rsqrt(var + eps) * g + b


def branch(x, ei, W1, b1, g1, be1, W2, b2, g2, be2):
    h = jax.nn.relu(batch_norm(gcn_conv(x, ei, W1, b1), g1, be1))
    h = jax.nn.relu(batch_norm(gcn_conv(h, ei, W2, b2), g2, be2))
    return h


def mean_pool(x, batch, num_graphs):
    sums = jax.ops.segment_sum(x, batch, num_segments=num_graphs)
    cnt = jax.ops.segment_sum(jnp.ones(x.shape[0], dtype=x.dtype), batch, num_segments=num_graphs)
    return sums / jnp.maximum(cnt, 1.0)[:, None]


def setup_inputs(seed: int = 0) -> dict:
    key = jax.random.key(seed)
    ks = jax.random.split(key, 16)
    x_c = jax.random.normal(ks[0], (N, F_IN), jnp.float32)
    edge_index_c = jax.random.randint(ks[1], (2, E), 0, N, dtype=jnp.int32)
    batch_c = jnp.sort(jax.random.randint(ks[2], (N,), 0, G, dtype=jnp.int32))
    x_s = jax.random.normal(ks[3], (N, F_IN), jnp.float32)
    edge_index_s = jax.random.randint(ks[4], (2, E), 0, N, dtype=jnp.int32)
    batch_s = jnp.sort(jax.random.randint(ks[5], (N,), 0, G, dtype=jnp.int32))

    def w(k, shape):
        return jax.random.normal(k, shape, jnp.float32) * (1.0 / np.sqrt(shape[0]))

    params = {
        "W1_c": w(ks[6], (F_IN, H)), "b1_c": jnp.zeros((H,), jnp.float32),
        "g1_c": jnp.ones((H,), jnp.float32), "be1_c": jnp.zeros((H,), jnp.float32),
        "W2_c": w(ks[7], (H, H)), "b2_c": jnp.zeros((H,), jnp.float32),
        "g2_c": jnp.ones((H,), jnp.float32), "be2_c": jnp.zeros((H,), jnp.float32),
        "W1_s": w(ks[8], (F_IN, H)), "b1_s": jnp.zeros((H,), jnp.float32),
        "g1_s": jnp.ones((H,), jnp.float32), "be1_s": jnp.zeros((H,), jnp.float32),
        "W2_s": w(ks[9], (H, H)), "b2_s": jnp.zeros((H,), jnp.float32),
        "g2_s": jnp.ones((H,), jnp.float32), "be2_s": jnp.zeros((H,), jnp.float32),
        "Wf1": w(ks[10], (2 * H, H)), "bf1": jnp.zeros((H,), jnp.float32),
        "Wf2": w(ks[11], (H, OUT)), "bf2": jnp.zeros((OUT,), jnp.float32),
    }
    out = {"x_c": x_c, "edge_index_c": edge_index_c, "batch_c": batch_c,
           "x_s": x_s, "edge_index_s": edge_index_s, "batch_s": batch_s}
    out.update(params)
    return out


def reference(x_c, edge_index_c, batch_c, x_s, edge_index_s, batch_s,
              W1_c, b1_c, g1_c, be1_c, W2_c, b2_c, g2_c, be2_c,
              W1_s, b1_s, g1_s, be1_s, W2_s, b2_s, g2_s, be2_s,
              Wf1, bf1, Wf2, bf2):
    h_c = branch(x_c, edge_index_c, W1_c, b1_c, g1_c, be1_c, W2_c, b2_c, g2_c, be2_c)
    p_c = mean_pool(h_c, batch_c, G)
    h_s = branch(x_s, edge_index_s, W1_s, b1_s, g1_s, be1_s, W2_s, b2_s, g2_s, be2_s)
    p_s = mean_pool(h_s, batch_s, G)
    x = jnp.concatenate([p_c, p_s], axis=1)
    x = jax.nn.relu(x @ Wf1 + bf1)
    return x @ Wf2 + bf2

if __name__ == "__main__":
    import jax
    _d = setup_inputs()
    print(jax.jit(kernel)(*tuple(_d.values())))

</pallas_src>

<mosaic_0001>
#map = affine_map<(d0, d1) -> (0, 0)>
#map1 = affine_map<(d0, d1) -> (0, 0, 0)>
module attributes {stable_mosaic.version = 14 : i64} {
  func.func @_sc_agg_body(%arg0: i32, %arg1: i32, %arg2: memref<10240x64xf32, #tpu.memory_space<hbm>>, %arg3: memref<10240x64xf32, #tpu.memory_space<hbm>>, %arg4: memref<16x160x128xi32, #tpu.memory_space<hbm>>, %arg5: memref<16x158x128xi32, #tpu.memory_space<hbm>>, %arg6: memref<16x160x128xi32, #tpu.memory_space<hbm>>, %arg7: memref<16x158x128xi32, #tpu.memory_space<hbm>>, %arg8: memref<10240x64xf32, #tpu.memory_space<hbm>>, %arg9: memref<10240x64xf32, #tpu.memory_space<hbm>>, %arg10: memref<10240x64xf32, #tpu.memory_space<vmem_shared>>, %arg11: memref<160x128xi32, #tpu.memory_space<vmem>>, %arg12: memref<158x128xi32, #tpu.memory_space<vmem>>, %arg13: memref<128x64xf32, #tpu.memory_space<vmem>>, %arg14: memref<128x64xf32, #tpu.memory_space<vmem>>, %arg15: memref<!tpu.dma_semaphore, #tpu.memory_space<semaphore_mem>>, %arg16: memref<!tpu.dma_semaphore, #tpu.memory_space<semaphore_mem>>) attributes {dimension_semantics = [#tpu.dimension_semantics<core_parallel>, #tpu.dimension_semantics<subcore_parallel>], iteration_bounds = array<i64: 2, 16>, scalar_prefetch = 0 : i64, scratch_operands = 7 : i64, tpu.core_type = #tpu.core_type<sc_vector_subcore>, window_params = [{transform_indices = #map}, {transform_indices = #map}, {transform_indices = #map1}, {transform_indices = #map1}, {transform_indices = #map1}, {transform_indices = #map1}, {transform_indices = #map}, {transform_indices = #map}]} {
    %eq3A = arith.constant 0 : i32
    %eq3A_0 = arith.cmpi eq, %arg0, %eq3A : i32
    %convert_element_type3A = arith.extui %eq3A_0 : i1 to i32
    %cond3A = arith.constant 0 : i32
    %cond3A_1 = arith.cmpi ne, %convert_element_type3A, %cond3A : i32
    scf.if %cond3A_1 {
      %mul3A = arith.constant 640 : i32
      %mul3A_28 = arith.muli %arg1, %mul3A : i32
      %mul3A_29 = arith.constant 640 : i32
      %mul3A_30 = arith.muli %arg1, %mul3A_29 : i32
      "tpu.region"() ({
        %run_scoped3A = tpu.sem_alloc : memref<!tpu.dma_semaphore, #tpu.memory_space<semaphore_mem>>
        %dma_start3A = arith.constant 0 : i32
        %dma_start3A_31 = tpu.memref_slice %arg10[%mul3A_30, %dma_start3A] : memref<10240x64xf32, #tpu.memory_space<vmem_shared>> -> memref<640x64xf32, #tpu.memory_space<vmem_shared>>
        %dma_start3A_32 = arith.constant 0 : i32
        %dma_start3A_33 = tpu.memref_slice %arg2[%mul3A_28, %dma_start3A_32] : memref<10240x64xf32, #tpu.memory_space<hbm>> -> memref<640x64xf32, #tpu.memory_space<hbm>>
        tpu.enqueue_dma source(%dma_start3A_33 : memref<640x64xf32, #tpu.memory_space<hbm>>) target(%dma_start3A_31 : memref<640x64xf32, #tpu.memory_space<vmem_shared>>) target_semaphore(%run_scoped3A : memref<!tpu.dma_semaphore, #tpu.memory_space<semaphore_mem>>)
        %dma_wait3A = arith.constant 0 : i32
        %dma_wait3A_34 = tpu.memref_slice %arg10[%mul3A_30, %dma_wait3A] : memref<10240x64xf32, #tpu.memory_space<vmem_shared>> -> memref<640x64xf32, #tpu.memory_space<vmem_shared>>
        %dma_wait3A_35 = arith.constant 0 : i32
        %dma_wait3A_36 = tpu.memref_slice %arg2[%mul3A_28, %dma_wait3A_35] : memref<10240x64xf32, #tpu.memory_space<hbm>> -> memref<640x64xf32, #tpu.memory_space<hbm>>
        tpu.wait_dma2 semaphore(%run_scoped3A : memref<!tpu.dma_semaphore, #tpu.memory_space<semaphore_mem>>) src(%dma_wait3A_36 : memref<640x64xf32, #tpu.memory_space<hbm>>) dst(%dma_wait3A_34 : memref<640x64xf32, #tpu.memory_space<vmem_shared>>)
        tpu.yield
      }) : () -> ()
      "tpu.region"() ({
        %run_scoped3A = tpu.sem_alloc : memref<!tpu.dma_semaphore, #tpu.memory_space<semaphore_mem>>
        %dma_start3A = arith.constant 0 : i32
        %dma_start3A_31 = arith.constant 0 : i32
        %dma_start3A_32 = tpu.memref_slice %arg4[%arg1, %dma_start3A, %dma_start3A_31] : memref<16x160x128xi32, #tpu.memory_space<hbm>> -> memref<1x160x128xi32, #tpu.memory_space<hbm>>
        %dma_start3A_33 = tpu.memref_squeeze %dma_start3A_32 : memref<1x160x128xi32, #tpu.memory_space<hbm>> -> memref<160x128xi32, #tpu.memory_space<hbm>>
        %dma_start3A_34 = arith.constant 0 : i32
        %dma_start3A_35 = arith.constant 0 : i32
        %dma_start3A_36 = tpu.memref_slice %arg4[%arg1, %dma_start3A_34, %dma_start3A_35] : memref<16x160x128xi32, #tpu.memory_space<hbm>> -> memref<1x160x128xi32, #tpu.memory_space<hbm>>
        %dma_start3A_37 = tpu.memref_squeeze %dma_start3A_36 : memref<1x160x128xi32, #tpu.memory_space<hbm>> -> memref<160x128xi32, #tpu.memory_space<hbm>>
        tpu.enqueue_dma source(%dma_start3A_37 : memref<160x128xi32, #tpu.memory_space<hbm>>) target(%arg11 : memref<160x128xi32, #tpu.memory_space<vmem>>) target_semaphore(%run_scoped3A : memref<!tpu.dma_semaphore, #tpu.memory_space<semaphore_mem>>)
        %dma_wait3A = arith.constant 0 : i32
        %dma_wait3A_38 = arith.constant 0 : i32
        %dma_wait3A_39 = tpu.memref_slice %arg4[%arg1, %dma_wait3A, %dma_wait3A_38] : memref<16x160x128xi32, #tpu.memory_space<hbm>> -> memref<1x160x128xi32, #tpu.memory_space<hbm>>
        %dma_wait3A_40 = tpu.memref_squeeze %dma_wait3A_39 : memref<1x160x128xi32, #tpu.memory_space<hbm>> -> memref<160x128xi32, #tpu.memory_space<hbm>>
        %dma_wait3A_41 = arith.constant 0 : i32
        %dma_wait3A_42 = arith.constant 0 : i32
        %dma_wait3A_43 = tpu.memref_slice %arg4[%arg1, %dma_wait3A_41, %dma_wait3A_42] : memref<16x160x128xi32, #tpu.memory_space<hbm>> -> memref<1x160x128xi32, #tpu.memory_space<hbm>>
        %dma_wait3A_44 = tpu.memref_squeeze %dma_wait3A_43 : memref<1x160x128xi32, #tpu.memory_space<hbm>> -> memref<160x128xi32, #tpu.memory_space<hbm>>
        tpu.wait_dma2 semaphore(%run_scoped3A : memref<!tpu.dma_semaphore, #tpu.memory_space<semaphore_mem>>) src(%dma_wait3A_44 : memref<160x128xi32, #tpu.memory_space<hbm>>) dst(%arg11 : memref<160x128xi32, #tpu.memory_space<vmem>>)
        tpu.yield
      }) : () -> ()
      "tpu.region"() ({
        %run_scoped3A = tpu.sem_alloc : memref<!tpu.dma_semaphore, #tpu.memory_space<semaphore_mem>>
        %dma_start3A = arith.constant 0 : i32
        %dma_start3A_31 = arith.constant 0 : i32
        %dma_start3A_32 = tpu.memref_slice %arg5[%arg1, %dma_start3A, %dma_start3A_31] : memref<16x158x128xi32, #tpu.memory_space<hbm>> -> memref<1x158x128xi32, #tpu.memory_space<hbm>>
        %dma_start3A_33 = tpu.memref_squeeze %dma_start3A_32 : memref<1x158x128xi32, #tpu.memory_space<hbm>> -> memref<158x128xi32, #tpu.memory_space<hbm>>
        %dma_start3A_34 = arith.constant 0 : i32
        %dma_start3A_35 = arith.constant 0 : i32
        %dma_start3A_36 = tpu.memref_slice %arg5[%arg1, %dma_start3A_34, %dma_start3A_35] : memref<16x158x128xi32, #tpu.memory_space<hbm>> -> memref<1x158x128xi32, #tpu.memory_space<hbm>>
        %dma_start3A_37 = tpu.memref_squeeze %dma_start3A_36 : memref<1x158x128xi32, #tpu.memory_space<hbm>> -> memref<158x128xi32, #tpu.memory_space<hbm>>
        tpu.enqueue_dma source(%dma_start3A_37 : memref<158x128xi32, #tpu.memory_space<hbm>>) target(%arg12 : memref<158x128xi32, #tpu.memory_space<vmem>>) target_semaphore(%run_scoped3A : memref<!tpu.dma_semaphore, #tpu.memory_space<semaphore_mem>>)
        %dma_wait3A = arith.constant 0 : i32
        %dma_wait3A_38 = arith.constant 0 : i32
        %dma_wait3A_39 = tpu.memref_slice %arg5[%arg1, %dma_wait3A, %dma_wait3A_38] : memref<16x158x128xi32, #tpu.memory_space<hbm>> -> memref<1x158x128xi32, #tpu.memory_space<hbm>>
        %dma_wait3A_40 = tpu.memref_squeeze %dma_wait3A_39 : memref<1x158x128xi32, #tpu.memory_space<hbm>> -> memref<158x128xi32, #tpu.memory_space<hbm>>
        %dma_wait3A_41 = arith.constant 0 : i32
        %dma_wait3A_42 = arith.constant 0 : i32
        %dma_wait3A_43 = tpu.memref_slice %arg5[%arg1, %dma_wait3A_41, %dma_wait3A_42] : memref<16x158x128xi32, #tpu.memory_space<hbm>> -> memref<1x158x128xi32, #tpu.memory_space<hbm>>
        %dma_wait3A_44 = tpu.memref_squeeze %dma_wait3A_43 : memref<1x158x128xi32, #tpu.memory_space<hbm>> -> memref<158x128xi32, #tpu.memory_space<hbm>>
        tpu.wait_dma2 semaphore(%run_scoped3A : memref<!tpu.dma_semaphore, #tpu.memory_space<semaphore_mem>>) src(%dma_wait3A_44 : memref<158x128xi32, #tpu.memory_space<hbm>>) dst(%arg12 : memref<158x128xi32, #tpu.memory_space<vmem>>)
        tpu.yield
      }) : () -> ()
    } else {
    }
    %eq3A_2 = arith.constant 1 : i32
    %eq3A_3 = arith.cmpi eq, %arg0, %eq3A_2 : i32
    %convert_element_type3A_4 = arith.extui %eq3A_3 : i1 to i32
    %cond3A_5 = arith.constant 0 : i32
    %cond3A_6 = arith.cmpi ne, %convert_element_type3A_4, %cond3A_5 : i32
    scf.if %cond3A_6 {
      %mul3A = arith.constant 640 : i32
      %mul3A_28 = arith.muli %arg1, %mul3A : i32
      %mul3A_29 = arith.constant 640 : i32
      %mul3A_30 = arith.muli %arg1, %mul3A_29 : i32
      "tpu.region"() ({
        %run_scoped3A = tpu.sem_alloc : memref<!tpu.dma_semaphore, #tpu.memory_space<semaphore_mem>>
        %dma_start3A = arith.constant 0 : i32
        %dma_start3A_31 = tpu.memref_slice %arg10[%mul3A_30, %dma_start3A] : memref<10240x64xf32, #tpu.memory_space<vmem_shared>> -> memref<640x64xf32, #tpu.memory_space<vmem_shared>>
        %dma_start3A_32 = arith.constant 0 : i32
        %dma_start3A_33 = tpu.memref_slice %arg3[%mul3A_28, %dma_start3A_32] : memref<10240x64xf32, #tpu.memory_space<hbm>> -> memref<640x64xf32, #tpu.memory_space<hbm>>
        tpu.enqueue_dma source(%dma_start3A_33 : memref<640x64xf32, #tpu.memory_space<hbm>>) target(%dma_start3A_31 : memref<640x64xf32, #tpu.memory_space<vmem_shared>>) target_semaphore(%run_scoped3A : memref<!tpu.dma_semaphore, #tpu.memory_space<semaphore_mem>>)
        %dma_wait3A = arith.constant 0 : i32
        %dma_wait3A_34 = tpu.memref_slice %arg10[%mul3A_30, %dma_wait3A] : memref<10240x64xf32, #tpu.memory_space<vmem_shared>> -> memref<640x64xf32, #tpu.memory_space<vmem_shared>>
        %dma_wait3A_35 = arith.constant 0 : i32
        %dma_wait3A_36 = tpu.memref_slice %arg3[%mul3A_28, %dma_wait3A_35] : memref<10240x64xf32, #tpu.memory_space<hbm>> -> memref<640x64xf32, #tpu.memory_space<hbm>>
        tpu.wait_dma2 semaphore(%run_scoped3A : memref<!tpu.dma_semaphore, #tpu.memory_space<semaphore_mem>>) src(%dma_wait3A_36 : memref<640x64xf32, #tpu.memory_space<hbm>>) dst(%dma_wait3A_34 : memref<640x64xf32, #tpu.memory_space<vmem_shared>>)
        tpu.yield
      }) : () -> ()
      "tpu.region"() ({
        %run_scoped3A = tpu.sem_alloc : memref<!tpu.dma_semaphore, #tpu.memory_space<semaphore_mem>>
        %dma_start3A = arith.constant 0 : i32
        %dma_start3A_31 = arith.constant 0 : i32
        %dma_start3A_32 = tpu.memref_slice %arg6[%arg1, %dma_start3A, %dma_start3A_31] : memref<16x160x128xi32, #tpu.memory_space<hbm>> -> memref<1x160x128xi32, #tpu.memory_space<hbm>>
        %dma_start3A_33 = tpu.memref_squeeze %dma_start3A_32 : memref<1x160x128xi32, #tpu.memory_space<hbm>> -> memref<160x128xi32, #tpu.memory_space<hbm>>
        %dma_start3A_34 = arith.constant 0 : i32
        %dma_start3A_35 = arith.constant 0 : i32
        %dma_start3A_36 = tpu.memref_slice %arg6[%arg1, %dma_start3A_34, %dma_start3A_35] : memref<16x160x128xi32, #tpu.memory_space<hbm>> -> memref<1x160x128xi32, #tpu.memory_space<hbm>>
        %dma_start3A_37 = tpu.memref_squeeze %dma_start3A_36 : memref<1x160x128xi32, #tpu.memory_space<hbm>> -> memref<160x128xi32, #tpu.memory_space<hbm>>
        tpu.enqueue_dma source(%dma_start3A_37 : memref<160x128xi32, #tpu.memory_space<hbm>>) target(%arg11 : memref<160x128xi32, #tpu.memory_space<vmem>>) target_semaphore(%run_scoped3A : memref<!tpu.dma_semaphore, #tpu.memory_space<semaphore_mem>>)
        %dma_wait3A = arith.constant 0 : i32
        %dma_wait3A_38 = arith.constant 0 : i32
        %dma_wait3A_39 = tpu.memref_slice %arg6[%arg1, %dma_wait3A, %dma_wait3A_38] : memref<16x160x128xi32, #tpu.memory_space<hbm>> -> memref<1x160x128xi32, #tpu.memory_space<hbm>>
        %dma_wait3A_40 = tpu.memref_squeeze %dma_wait3A_39 : memref<1x160x128xi32, #tpu.memory_space<hbm>> -> memref<160x128xi32, #tpu.memory_space<hbm>>
        %dma_wait3A_41 = arith.constant 0 : i32
        %dma_wait3A_42 = arith.constant 0 : i32
        %dma_wait3A_43 = tpu.memref_slice %arg6[%arg1, %dma_wait3A_41, %dma_wait3A_42] : memref<16x160x128xi32, #tpu.memory_space<hbm>> -> memref<1x160x128xi32, #tpu.memory_space<hbm>>
        %dma_wait3A_44 = tpu.memref_squeeze %dma_wait3A_43 : memref<1x160x128xi32, #tpu.memory_space<hbm>> -> memref<160x128xi32, #tpu.memory_space<hbm>>
        tpu.wait_dma2 semaphore(%run_scoped3A : memref<!tpu.dma_semaphore, #tpu.memory_space<semaphore_mem>>) src(%dma_wait3A_44 : memref<160x128xi32, #tpu.memory_space<hbm>>) dst(%arg11 : memref<160x128xi32, #tpu.memory_space<vmem>>)
        tpu.yield
      }) : () -> ()
      "tpu.region"() ({
        %run_scoped3A = tpu.sem_alloc : memref<!tpu.dma_semaphore, #tpu.memory_space<semaphore_mem>>
        %dma_start3A = arith.constant 0 : i32
        %dma_start3A_31 = arith.constant 0 : i32
        %dma_start3A_32 = tpu.memref_slice %arg7[%arg1, %dma_start3A, %dma_start3A_31] : memref<16x158x128xi32, #tpu.memory_space<hbm>> -> memref<1x158x128xi32, #tpu.memory_space<hbm>>
        %dma_start3A_33 = tpu.memref_squeeze %dma_start3A_32 : memref<1x158x128xi32, #tpu.memory_space<hbm>> -> memref<158x128xi32, #tpu.memory_space<hbm>>
        %dma_start3A_34 = arith.constant 0 : i32
        %dma_start3A_35 = arith.constant 0 : i32
        %dma_start3A_36 = tpu.memref_slice %arg7[%arg1, %dma_start3A_34, %dma_start3A_35] : memref<16x158x128xi32, #tpu.memory_space<hbm>> -> memref<1x158x128xi32, #tpu.memory_space<hbm>>
        %dma_start3A_37 = tpu.memref_squeeze %dma_start3A_36 : memref<1x158x128xi32, #tpu.memory_space<hbm>> -> memref<158x128xi32, #tpu.memory_space<hbm>>
        tpu.enqueue_dma source(%dma_start3A_37 : memref<158x128xi32, #tpu.memory_space<hbm>>) target(%arg12 : memref<158x128xi32, #tpu.memory_space<vmem>>) target_semaphore(%run_scoped3A : memref<!tpu.dma_semaphore, #tpu.memory_space<semaphore_mem>>)
        %dma_wait3A = arith.constant 0 : i32
        %dma_wait3A_38 = arith.constant 0 : i32
        %dma_wait3A_39 = tpu.memref_slice %arg7[%arg1, %dma_wait3A, %dma_wait3A_38] : memref<16x158x128xi32, #tpu.memory_space<hbm>> -> memref<1x158x128xi32, #tpu.memory_space<hbm>>
        %dma_wait3A_40 = tpu.memref_squeeze %dma_wait3A_39 : memref<1x158x128xi32, #tpu.memory_space<hbm>> -> memref<158x128xi32, #tpu.memory_space<hbm>>
        %dma_wait3A_41 = arith.constant 0 : i32
        %dma_wait3A_42 = arith.constant 0 : i32
        %dma_wait3A_43 = tpu.memref_slice %arg7[%arg1, %dma_wait3A_41, %dma_wait3A_42] : memref<16x158x128xi32, #tpu.memory_space<hbm>> -> memref<1x158x128xi32, #tpu.memory_space<hbm>>
        %dma_wait3A_44 = tpu.memref_squeeze %dma_wait3A_43 : memref<1x158x128xi32, #tpu.memory_space<hbm>> -> memref<158x128xi32, #tpu.memory_space<hbm>>
        tpu.wait_dma2 semaphore(%run_scoped3A : memref<!tpu.dma_semaphore, #tpu.memory_space<semaphore_mem>>) src(%dma_wait3A_44 : memref<158x128xi32, #tpu.memory_space<hbm>>) dst(%arg12 : memref<158x128xi32, #tpu.memory_space<vmem>>)
        tpu.yield
      }) : () -> ()
    } else {
    }
    %barrier3A = arith.constant 0 : index
    tpu.barrier barrier_id(%barrier3A)
    %eq3A_7 = arith.constant 0 : i32
    %eq3A_8 = arith.cmpi eq, %arg0, %eq3A_7 : i32
    %convert_element_type3A_9 = arith.extui %eq3A_8 : i1 to i32
    %cond3A_10 = arith.constant 0 : i32
    %cond3A_11 = arith.cmpi ne, %convert_element_type3A_9, %cond3A_10 : i32
    scf.if %cond3A_11 {
      %dma_start3A = arith.constant 0 : i32
      %dma_start3A_28 = arith.constant 0 : i32
      %dma_start3A_29 = tpu.memref_slice %arg11[%dma_start3A, %dma_start3A_28] : memref<160x128xi32, #tpu.memory_space<vmem>> -> memref<1x128xi32, #tpu.memory_space<vmem>>
      %dma_start3A_30 = tpu.memref_squeeze %dma_start3A_29 : memref<1x128xi32, #tpu.memory_space<vmem>> -> memref<128xi32, #tpu.memory_space<vmem>>
      %dma_start3A_31 = arith.constant 0 : i32
      %dma_start3A_32 = arith.constant 0 : i32
      %dma_start3A_33 = tpu.memref_slice %arg2[%dma_start3A_31, %dma_start3A_32] : memref<10240x64xf32, #tpu.memory_space<hbm>> -> memref<10240x64xf32, #tpu.memory_space<hbm>>
      tpu.enqueue_indirect_dma source(%dma_start3A_33 : memref<10240x64xf32, #tpu.memory_space<hbm>>) target(%arg13 : memref<128x64xf32, #tpu.memory_space<vmem>>) offsets(%dma_start3A_30 : memref<128xi32, #tpu.memory_space<vmem>>) semaphore(%arg15 : memref<!tpu.dma_semaphore, #tpu.memory_space<semaphore_mem>>)
      %scan3A = arith.constant 0 : i32
      %scan3A_34 = arith.constant 0 : i32
      %scan3A_35 = arith.constant 79 : i32
      %scan3A_36 = arith.addi %scan3A_34, %scan3A_35 : i32
      %scan3A_37 = arith.constant 1 : i32
      scf.for %scan3A_44 = %scan3A_34 to %scan3A_36 step %scan3A_37  : i32 {
        %mul3A = arith.constant 2 : i32
        %mul3A_45 = arith.muli %mul3A, %scan3A_44 : i32
        %add3A = arith.constant 1 : i32
        %add3A_46 = arith.addi %mul3A_45, %add3A : i32
        %dma_start3A_47 = arith.constant 0 : i32
        %dma_start3A_48 = tpu.memref_slice %arg11[%add3A_46, %dma_start3A_47] : memref<160x128xi32, #tpu.memory_space<vmem>> -> memref<1x128xi32, #tpu.memory_space<vmem>>
        %dma_start3A_49 = tpu.memref_squeeze %dma_start3A_48 : memref<1x128xi32, #tpu.memory_space<vmem>> -> memref<128xi32, #tpu.memory_space<vmem>>
        %dma_start3A_50 = arith.constant 0 : i32
        %dma_start3A_51 = arith.constant 0 : i32
        %dma_start3A_52 = tpu.memref_slice %arg2[%dma_start3A_50, %dma_start3A_51] : memref<10240x64xf32, #tpu.memory_space<hbm>> -> memref<10240x64xf32, #tpu.memory_space<hbm>>
        tpu.enqueue_indirect_dma source(%dma_start3A_52 : memref<10240x64xf32, #tpu.memory_space<hbm>>) target(%arg14 : memref<128x64xf32, #tpu.memory_space<vmem>>) offsets(%dma_start3A_49 : memref<128xi32, #tpu.memory_space<vmem>>) semaphore(%arg16 : memref<!tpu.dma_semaphore, #tpu.memory_space<semaphore_mem>>)
        %dma_wait3A_53 = arith.constant 0 : i32
        %dma_wait3A_54 = arith.constant 0 : i32
        %dma_wait3A_55 = tpu.memref_slice %arg2[%dma_wait3A_53, %dma_wait3A_54] : memref<10240x64xf32, #tpu.memory_space<hbm>> -> memref<128x64xf32, #tpu.memory_space<hbm>>
        %dma_wait3A_56 = arith.constant 0 : i32
        %dma_wait3A_57 = arith.constant 0 : i32
        %dma_wait3A_58 = tpu.memref_slice %arg2[%dma_wait3A_56, %dma_wait3A_57] : memref<10240x64xf32, #tpu.memory_space<hbm>> -> memref<128x64xf32, #tpu.memory_space<hbm>>
        tpu.wait_dma2 semaphore(%arg15 : memref<!tpu.dma_semaphore, #tpu.memory_space<semaphore_mem>>) src(%dma_wait3A_58 : memref<128x64xf32, #tpu.memory_space<hbm>>) dst(%arg13 : memref<128x64xf32, #tpu.memory_space<vmem>>)
        %mul3A_59 = arith.constant 2 : i32
        %mul3A_60 = arith.muli %mul3A_59, %scan3A_44 : i32
        "tpu.region"() ({
          %run_scoped3A = tpu.sem_alloc : memref<!tpu.dma_semaphore, #tpu.memory_space<semaphore_mem>>
          %dma_start3A_81 = arith.constant 0 : i32
          %dma_start3A_82 = tpu.memref_slice %arg12[%mul3A_60, %dma_start3A_81] : memref<158x128xi32, #tpu.memory_space<vmem>> -> memref<1x128xi32, #tpu.memory_space<vmem>>
          %dma_start3A_83 = tpu.memref_squeeze %dma_start3A_82 : memref<1x128xi32, #tpu.memory_space<vmem>> -> memref<128xi32, #tpu.memory_space<vmem>>
          %dma_start3A_84 = arith.constant 0 : i32
          %dma_start3A_85 = arith.constant 0 : i32
          %dma_start3A_86 = tpu.memref_slice %arg10[%dma_start3A_84, %dma_start3A_85] : memref<10240x64xf32, #tpu.memory_space<vmem_shared>> -> memref<10240x64xf32, #tpu.memory_space<vmem_shared>>
          tpu.enqueue_indirect_dma source(%arg13 : memref<128x64xf32, #tpu.memory_space<vmem>>) target(%dma_start3A_86 : memref<10240x64xf32, #tpu.memory_space<vmem_shared>>) offsets(%dma_start3A_83 : memref<128xi32, #tpu.memory_space<vmem>>) semaphore(%run_scoped3A : memref<!tpu.dma_semaphore, #tpu.memory_space<semaphore_mem>>) {add = true}
          %dma_wait3A_87 = arith.constant 0 : i32
          %dma_wait3A_88 = tpu.memref_slice %arg12[%mul3A_60, %dma_wait3A_87] : memref<158x128xi32, #tpu.memory_space<vmem>> -> memref<1x128xi32, #tpu.memory_space<vmem>>
          %dma_wait3A_89 = tpu.memref_squeeze %dma_wait3A_88 : memref<1x128xi32, #tpu.memory_space<vmem>> -> memref<128xi32, #tpu.memory_space<vmem>>
          %dma_wait3A_90 = arith.constant 0 : i32
          %dma_wait3A_91 = arith.constant 0 : i32
          %dma_wait3A_92 = tpu.memref_slice %arg10[%dma_wait3A_90, %dma_wait3A_91] : memref<10240x64xf32, #tpu.memory_space<vmem_shared>> -> memref<10240x64xf32, #tpu.memory_space<vmem_shared>>
          tpu.wait_indirect_dma semaphore(%run_scoped3A : memref<!tpu.dma_semaphore, #tpu.memory_space<semaphore_mem>>) src(%arg13 : memref<128x64xf32, #tpu.memory_space<vmem>>) dst(%dma_wait3A_92 : memref<10240x64xf32, #tpu.memory_space<vmem_shared>>)
          tpu.yield
        }) : () -> ()
        %mul3A_61 = arith.constant 2 : i32
        %mul3A_62 = arith.muli %mul3A_61, %scan3A_44 : i32
        %add3A_63 = arith.constant 2 : i32
        %add3A_64 = arith.addi %mul3A_62, %add3A_63 : i32
        %dma_start3A_65 = arith.constant 0 : i32
        %dma_start3A_66 = tpu.memref_slice %arg11[%add3A_64, %dma_start3A_65] : memref<160x128xi32, #tpu.memory_space<vmem>> -> memref<1x128xi32, #tpu.memory_space<vmem>>
        %dma_start3A_67 = tpu.memref_squeeze %dma_start3A_66 : memref<1x128xi32, #tpu.memory_space<vmem>> -> memref<128xi32, #tpu.memory_space<vmem>>
        %dma_start3A_68 = arith.constant 0 : i32
        %dma_start3A_69 = arith.constant 0 : i32
        %dma_start3A_70 = tpu.memref_slice %arg2[%dma_start3A_68, %dma_start3A_69] : memref<10240x64xf32, #tpu.memory_space<hbm>> -> memref<10240x64xf32, #tpu.memory_space<hbm>>
        tpu.enqueue_indirect_dma source(%dma_start3A_70 : memref<10240x64xf32, #tpu.memory_space<hbm>>) target(%arg13 : memref<128x64xf32, #tpu.memory_space<vmem>>) offsets(%dma_start3A_67 : memref<128xi32, #tpu.memory_space<vmem>>) semaphore(%arg15 : memref<!tpu.dma_semaphore, #tpu.memory_space<semaphore_mem>>)
        %dma_wait3A_71 = arith.constant 0 : i32
        %dma_wait3A_72 = arith.constant 0 : i32
        %dma_wait3A_73 = tpu.memref_slice %arg2[%dma_wait3A_71, %dma_wait3A_72] : memref<10240x64xf32, #tpu.memory_space<hbm>> -> memref<128x64xf32, #tpu.memory_space<hbm>>
        %dma_wait3A_74 = arith.constant 0 : i32
        %dma_wait3A_75 = arith.constant 0 : i32
        %dma_wait3A_76 = tpu.memref_slice %arg2[%dma_wait3A_74, %dma_wait3A_75] : memref<10240x64xf32, #tpu.memory_space<hbm>> -> memref<128x64xf32, #tpu.memory_space<hbm>>
        tpu.wait_dma2 semaphore(%arg16 : memref<!tpu.dma_semaphore, #tpu.memory_space<semaphore_mem>>) src(%dma_wait3A_76 : memref<128x64xf32, #tpu.memory_space<hbm>>) dst(%arg14 : memref<128x64xf32, #tpu.memory_space<vmem>>)
        %mul3A_77 = arith.constant 2 : i32
        %mul3A_78 = arith.muli %mul3A_77, %scan3A_44 : i32
        %add3A_79 = arith.constant 1 : i32
        %add3A_80 = arith.addi %mul3A_78, %add3A_79 : i32
        "tpu.region"() ({
          %run_scoped3A = tpu.sem_alloc : memref<!tpu.dma_semaphore, #tpu.memory_space<semaphore_mem>>
          %dma_start3A_81 = arith.constant 0 : i32
          %dma_start3A_82 = tpu.memref_slice %arg12[%add3A_80, %dma_start3A_81] : memref<158x128xi32, #tpu.memory_space<vmem>> -> memref<1x128xi32, #tpu.memory_space<vmem>>
          %dma_start3A_83 = tpu.memref_squeeze %dma_start3A_82 : memref<1x128xi32, #tpu.memory_space<vmem>> -> memref<128xi32, #tpu.memory_space<vmem>>
          %dma_start3A_84 = arith.constant 0 : i32
          %dma_start3A_85 = arith.constant 0 : i32
          %dma_start3A_86 = tpu.memref_slice %arg10[%dma_start3A_84, %dma_start3A_85] : memref<10240x64xf32, #tpu.memory_space<vmem_shared>> -> memref<10240x64xf32, #tpu.memory_space<vmem_shared>>
          tpu.enqueue_indirect_dma source(%arg14 : memref<128x64xf32, #tpu.memory_space<vmem>>) target(%dma_start3A_86 : memref<10240x64xf32, #tpu.memory_space<vmem_shared>>) offsets(%dma_start3A_83 : memref<128xi32, #tpu.memory_space<vmem>>) semaphore(%run_scoped3A : memref<!tpu.dma_semaphore, #tpu.memory_space<semaphore_mem>>) {add = true}
          %dma_wait3A_87 = arith.constant 0 : i32
          %dma_wait3A_88 = tpu.memref_slice %arg12[%add3A_80, %dma_wait3A_87] : memref<158x128xi32, #tpu.memory_space<vmem>> -> memref<1x128xi32, #tpu.memory_space<vmem>>
          %dma_wait3A_89 = tpu.memref_squeeze %dma_wait3A_88 : memref<1x128xi32, #tpu.memory_space<vmem>> -> memref<128xi32, #tpu.memory_space<vmem>>
          %dma_wait3A_90 = arith.constant 0 : i32
          %dma_wait3A_91 = arith.constant 0 : i32
          %dma_wait3A_92 = tpu.memref_slice %arg10[%dma_wait3A_90, %dma_wait3A_91] : memref<10240x64xf32, #tpu.memory_space<vmem_shared>> -> memref<10240x64xf32, #tpu.memory_space<vmem_shared>>
          tpu.wait_indirect_dma semaphore(%run_scoped3A : memref<!tpu.dma_semaphore, #tpu.memory_space<semaphore_mem>>) src(%arg14 : memref<128x64xf32, #tpu.memory_space<vmem>>) dst(%dma_wait3A_92 : memref<10240x64xf32, #tpu.memory_space<vmem_shared>>)
          tpu.yield
        }) : () -> ()
      }
      %scan3A_38 = arith.constant 79 : i32
      %dma_wait3A = arith.constant 0 : i32
      %dma_wait3A_39 = arith.constant 0 : i32
      %dma_wait3A_40 = tpu.memref_slice %arg2[%dma_wait3A, %dma_wait3A_39] : memref<10240x64xf32, #tpu.memory_space<hbm>> -> memref<128x64xf32, #tpu.memory_space<hbm>>
      %dma_wait3A_41 = arith.constant 0 : i32
      %dma_wait3A_42 = arith.constant 0 : i32
      %dma_wait3A_43 = tpu.memref_slice %arg2[%dma_wait3A_41, %dma_wait3A_42] : memref<10240x64xf32, #tpu.memory_space<hbm>> -> memref<128x64xf32, #tpu.memory_space<hbm>>
      tpu.wait_dma2 semaphore(%arg15 : memref<!tpu.dma_semaphore, #tpu.memory_space<semaphore_mem>>) src(%dma_wait3A_43 : memref<128x64xf32, #tpu.memory_space<hbm>>) dst(%arg13 : memref<128x64xf32, #tpu.memory_space<vmem>>)
    } else {
    }
    %eq3A_12 = arith.constant 1 : i32
    %eq3A_13 = arith.cmpi eq, %arg0, %eq3A_12 : i32
    %convert_element_type3A_14 = arith.extui %eq3A_13 : i1 to i32
    %cond3A_15 = arith.constant 0 : i32
    %cond3A_16 = arith.cmpi ne, %convert_element_type3A_14, %cond3A_15 : i32
    scf.if %cond3A_16 {
      %dma_start3A = arith.constant 0 : i32
      %dma_start3A_28 = arith.constant 0 : i32
      %dma_start3A_29 = tpu.memref_slice %arg11[%dma_start3A, %dma_start3A_28] : memref<160x128xi32, #tpu.memory_space<vmem>> -> memref<1x128xi32, #tpu.memory_space<vmem>>
      %dma_start3A_30 = tpu.memref_squeeze %dma_start3A_29 : memref<1x128xi32, #tpu.memory_space<vmem>> -> memref<128xi32, #tpu.memory_space<vmem>>
      %dma_start3A_31 = arith.constant 0 : i32
      %dma_start3A_32 = arith.constant 0 : i32
      %dma_start3A_33 = tpu.memref_slice %arg3[%dma_start3A_31, %dma_start3A_32] : memref<10240x64xf32, #tpu.memory_space<hbm>> -> memref<10240x64xf32, #tpu.memory_space<hbm>>
      tpu.enqueue_indirect_dma source(%dma_start3A_33 : memref<10240x64xf32, #tpu.memory_space<hbm>>) target(%arg13 : memref<128x64xf32, #tpu.memory_space<vmem>>) offsets(%dma_start3A_30 : memref<128xi32, #tpu.memory_space<vmem>>) semaphore(%arg15 : memref<!tpu.dma_semaphore, #tpu.memory_space<semaphore_mem>>)
      %scan3A = arith.constant 0 : i32
      %scan3A_34 = arith.constant 0 : i32
      %scan3A_35 = arith.constant 79 : i32
      %scan3A_36 = arith.addi %scan3A_34, %scan3A_35 : i32
      %scan3A_37 = arith.constant 1 : i32
      scf.for %scan3A_44 = %scan3A_34 to %scan3A_36 step %scan3A_37  : i32 {
        %mul3A = arith.constant 2 : i32
        %mul3A_45 = arith.muli %mul3A, %scan3A_44 : i32
        %add3A = arith.constant 1 : i32
        %add3A_46 = arith.addi %mul3A_45, %add3A : i32
        %dma_start3A_47 = arith.constant 0 : i32
        %dma_start3A_48 = tpu.memref_slice %arg11[%add3A_46, %dma_start3A_47] : memref<160x128xi32, #tpu.memory_space<vmem>> -> memref<1x128xi32, #tpu.memory_space<vmem>>
        %dma_start3A_49 = tpu.memref_squeeze %dma_start3A_48 : memref<1x128xi32, #tpu.memory_space<vmem>> -> memref<128xi32, #tpu.memory_space<vmem>>
        %dma_start3A_50 = arith.constant 0 : i32
        %dma_start3A_51 = arith.constant 0 : i32
        %dma_start3A_52 = tpu.memref_slice %arg3[%dma_start3A_50, %dma_start3A_51] : memref<10240x64xf32, #tpu.memory_space<hbm>> -> memref<10240x64xf32, #tpu.memory_space<hbm>>
        tpu.enqueue_indirect_dma source(%dma_start3A_52 : memref<10240x64xf32, #tpu.memory_space<hbm>>) target(%arg14 : memref<128x64xf32, #tpu.memory_space<vmem>>) offsets(%dma_start3A_49 : memref<128xi32, #tpu.memory_space<vmem>>) semaphore(%arg16 : memref<!tpu.dma_semaphore, #tpu.memory_space<semaphore_mem>>)
        %dma_wait3A_53 = arith.constant 0 : i32
        %dma_wait3A_54 = arith.constant 0 : i32
        %dma_wait3A_55 = tpu.memref_slice %arg3[%dma_wait3A_53, %dma_wait3A_54] : memref<10240x64xf32, #tpu.memory_space<hbm>> -> memref<128x64xf32, #tpu.memory_space<hbm>>
        %dma_wait3A_56 = arith.constant 0 : i32
        %dma_wait3A_57 = arith.constant 0 : i32
        %dma_wait3A_58 = tpu.memref_slice %arg3[%dma_wait3A_56, %dma_wait3A_57] : memref<10240x64xf32, #tpu.memory_space<hbm>> -> memref<128x64xf32, #tpu.memory_space<hbm>>
        tpu.wait_dma2 semaphore(%arg15 : memref<!tpu.dma_semaphore, #tpu.memory_space<semaphore_mem>>) src(%dma_wait3A_58 : memref<128x64xf32, #tpu.memory_space<hbm>>) dst(%arg13 : memref<128x64xf32, #tpu.memory_space<vmem>>)
        %mul3A_59 = arith.constant 2 : i32
        %mul3A_60 = arith.muli %mul3A_59, %scan3A_44 : i32
        "tpu.region"() ({
          %run_scoped3A = tpu.sem_alloc : memref<!tpu.dma_semaphore, #tpu.memory_space<semaphore_mem>>
          %dma_start3A_81 = arith.constant 0 : i32
          %dma_start3A_82 = tpu.memref_slice %arg12[%mul3A_60, %dma_start3A_81] : memref<158x128xi32, #tpu.memory_space<vmem>> -> memref<1x128xi32, #tpu.memory_space<vmem>>
          %dma_start3A_83 = tpu.memref_squeeze %dma_start3A_82 : memref<1x128xi32, #tpu.memory_space<vmem>> -> memref<128xi32, #tpu.memory_space<vmem>>
          %dma_start3A_84 = arith.constant 0 : i32
          %dma_start3A_85 = arith.constant 0 : i32
          %dma_start3A_86 = tpu.memref_slice %arg10[%dma_start3A_84, %dma_start3A_85] : memref<10240x64xf32, #tpu.memory_space<vmem_shared>> -> memref<10240x64xf32, #tpu.memory_space<vmem_shared>>
          tpu.enqueue_indirect_dma source(%arg13 : memref<128x64xf32, #tpu.memory_space<vmem>>) target(%dma_start3A_86 : memref<10240x64xf32, #tpu.memory_space<vmem_shared>>) offsets(%dma_start3A_83 : memref<128xi32, #tpu.memory_space<vmem>>) semaphore(%run_scoped3A : memref<!tpu.dma_semaphore, #tpu.memory_space<semaphore_mem>>) {add = true}
          %dma_wait3A_87 = arith.constant 0 : i32
          %dma_wait3A_88 = tpu.memref_slice %arg12[%mul3A_60, %dma_wait3A_87] : memref<158x128xi32, #tpu.memory_space<vmem>> -> memref<1x128xi32, #tpu.memory_space<vmem>>
          %dma_wait3A_89 = tpu.memref_squeeze %dma_wait3A_88 : memref<1x128xi32, #tpu.memory_space<vmem>> -> memref<128xi32, #tpu.memory_space<vmem>>
          %dma_wait3A_90 = arith.constant 0 : i32
          %dma_wait3A_91 = arith.constant 0 : i32
          %dma_wait3A_92 = tpu.memref_slice %arg10[%dma_wait3A_90, %dma_wait3A_91] : memref<10240x64xf32, #tpu.memory_space<vmem_shared>> -> memref<10240x64xf32, #tpu.memory_space<vmem_shared>>
          tpu.wait_indirect_dma semaphore(%run_scoped3A : memref<!tpu.dma_semaphore, #tpu.memory_space<semaphore_mem>>) src(%arg13 : memref<128x64xf32, #tpu.memory_space<vmem>>) dst(%dma_wait3A_92 : memref<10240x64xf32, #tpu.memory_space<vmem_shared>>)
          tpu.yield
        }) : () -> ()
        %mul3A_61 = arith.constant 2 : i32
        %mul3A_62 = arith.muli %mul3A_61, %scan3A_44 : i32
        %add3A_63 = arith.constant 2 : i32
        %add3A_64 = arith.addi %mul3A_62, %add3A_63 : i32
        %dma_start3A_65 = arith.constant 0 : i32
        %dma_start3A_66 = tpu.memref_slice %arg11[%add3A_64, %dma_start3A_65] : memref<160x128xi32, #tpu.memory_space<vmem>> -> memref<1x128xi32, #tpu.memory_space<vmem>>
        %dma_start3A_67 = tpu.memref_squeeze %dma_start3A_66 : memref<1x128xi32, #tpu.memory_space<vmem>> -> memref<128xi32, #tpu.memory_space<vmem>>
        %dma_start3A_68 = arith.constant 0 : i32
        %dma_start3A_69 = arith.constant 0 : i32
        %dma_start3A_70 = tpu.memref_slice %arg3[%dma_start3A_68, %dma_start3A_69] : memref<10240x64xf32, #tpu.memory_space<hbm>> -> memref<10240x64xf32, #tpu.memory_space<hbm>>
        tpu.enqueue_indirect_dma source(%dma_start3A_70 : memref<10240x64xf32, #tpu.memory_space<hbm>>) target(%arg13 : memref<128x64xf32, #tpu.memory_space<vmem>>) offsets(%dma_start3A_67 : memref<128xi32, #tpu.memory_space<vmem>>) semaphore(%arg15 : memref<!tpu.dma_semaphore, #tpu.memory_space<semaphore_mem>>)
        %dma_wait3A_71 = arith.constant 0 : i32
        %dma_wait3A_72 = arith.constant 0 : i32
        %dma_wait3A_73 = tpu.memref_slice %arg3[%dma_wait3A_71, %dma_wait3A_72] : memref<10240x64xf32, #tpu.memory_space<hbm>> -> memref<128x64xf32, #tpu.memory_space<hbm>>
        %dma_wait3A_74 = arith.constant 0 : i32
        %dma_wait3A_75 = arith.constant 0 : i32
        %dma_wait3A_76 = tpu.memref_slice %arg3[%dma_wait3A_74, %dma_wait3A_75] : memref<10240x64xf32, #tpu.memory_space<hbm>> -> memref<128x64xf32, #tpu.memory_space<hbm>>
        tpu.wait_dma2 semaphore(%arg16 : memref<!tpu.dma_semaphore, #tpu.memory_space<semaphore_mem>>) src(%dma_wait3A_76 : memref<128x64xf32, #tpu.memory_space<hbm>>) dst(%arg14 : memref<128x64xf32, #tpu.memory_space<vmem>>)
        %mul3A_77 = arith.constant 2 : i32
        %mul3A_78 = arith.muli %mul3A_77, %scan3A_44 : i32
        %add3A_79 = arith.constant 1 : i32
        %add3A_80 = arith.addi %mul3A_78, %add3A_79 : i32
        "tpu.region"() ({
          %run_scoped3A = tpu.sem_alloc : memref<!tpu.dma_semaphore, #tpu.memory_space<semaphore_mem>>
          %dma_start3A_81 = arith.constant 0 : i32
          %dma_start3A_82 = tpu.memref_slice %arg12[%add3A_80, %dma_start3A_81] : memref<158x128xi32, #tpu.memory_space<vmem>> -> memref<1x128xi32, #tpu.memory_space<vmem>>
          %dma_start3A_83 = tpu.memref_squeeze %dma_start3A_82 : memref<1x128xi32, #tpu.memory_space<vmem>> -> memref<128xi32, #tpu.memory_space<vmem>>
          %dma_start3A_84 = arith.constant 0 : i32
          %dma_start3A_85 = arith.constant 0 : i32
          %dma_start3A_86 = tpu.memref_slice %arg10[%dma_start3A_84, %dma_start3A_85] : memref<10240x64xf32, #tpu.memory_space<vmem_shared>> -> memref<10240x64xf32, #tpu.memory_space<vmem_shared>>
          tpu.enqueue_indirect_dma source(%arg14 : memref<128x64xf32, #tpu.memory_space<vmem>>) target(%dma_start3A_86 : memref<10240x64xf32, #tpu.memory_space<vmem_shared>>) offsets(%dma_start3A_83 : memref<128xi32, #tpu.memory_space<vmem>>) semaphore(%run_scoped3A : memref<!tpu.dma_semaphore, #tpu.memory_space<semaphore_mem>>) {add = true}
          %dma_wait3A_87 = arith.constant 0 : i32
          %dma_wait3A_88 = tpu.memref_slice %arg12[%add3A_80, %dma_wait3A_87] : memref<158x128xi32, #tpu.memory_space<vmem>> -> memref<1x128xi32, #tpu.memory_space<vmem>>
          %dma_wait3A_89 = tpu.memref_squeeze %dma_wait3A_88 : memref<1x128xi32, #tpu.memory_space<vmem>> -> memref<128xi32, #tpu.memory_space<vmem>>
          %dma_wait3A_90 = arith.constant 0 : i32
          %dma_wait3A_91 = arith.constant 0 : i32
          %dma_wait3A_92 = tpu.memref_slice %arg10[%dma_wait3A_90, %dma_wait3A_91] : memref<10240x64xf32, #tpu.memory_space<vmem_shared>> -> memref<10240x64xf32, #tpu.memory_space<vmem_shared>>
          tpu.wait_indirect_dma semaphore(%run_scoped3A : memref<!tpu.dma_semaphore, #tpu.memory_space<semaphore_mem>>) src(%arg14 : memref<128x64xf32, #tpu.memory_space<vmem>>) dst(%dma_wait3A_92 : memref<10240x64xf32, #tpu.memory_space<vmem_shared>>)
          tpu.yield
        }) : () -> ()
      }
      %scan3A_38 = arith.constant 79 : i32
      %dma_wait3A = arith.constant 0 : i32
      %dma_wait3A_39 = arith.constant 0 : i32
      %dma_wait3A_40 = tpu.memref_slice %arg3[%dma_wait3A, %dma_wait3A_39] : memref<10240x64xf32, #tpu.memory_space<hbm>> -> memref<128x64xf32, #tpu.memory_space<hbm>>
      %dma_wait3A_41 = arith.constant 0 : i32
      %dma_wait3A_42 = arith.constant 0 : i32
      %dma_wait3A_43 = tpu.memref_slice %arg3[%dma_wait3A_41, %dma_wait3A_42] : memref<10240x64xf32, #tpu.memory_space<hbm>> -> memref<128x64xf32, #tpu.memory_space<hbm>>
      tpu.wait_dma2 semaphore(%arg15 : memref<!tpu.dma_semaphore, #tpu.memory_space<semaphore_mem>>) src(%dma_wait3A_43 : memref<128x64xf32, #tpu.memory_space<hbm>>) dst(%arg13 : memref<128x64xf32, #tpu.memory_space<vmem>>)
    } else {
    }
    %barrier3A_17 = arith.constant 0 : index
    tpu.barrier barrier_id(%barrier3A_17)
    %eq3A_18 = arith.constant 0 : i32
    %eq3A_19 = arith.cmpi eq, %arg0, %eq3A_18 : i32
    %convert_element_type3A_20 = arith.extui %eq3A_19 : i1 to i32
    %cond3A_21 = arith.constant 0 : i32
    %cond3A_22 = arith.cmpi ne, %convert_element_type3A_20, %cond3A_21 : i32
    scf.if %cond3A_22 {
      %mul3A = arith.constant 640 : i32
      %mul3A_28 = arith.muli %arg1, %mul3A : i32
      %mul3A_29 = arith.constant 640 : i32
      %mul3A_30 = arith.muli %arg1, %mul3A_29 : i32
      "tpu.region"() ({
        %run_scoped3A = tpu.sem_alloc : memref<!tpu.dma_semaphore, #tpu.memory_space<semaphore_mem>>
        %dma_start3A = arith.constant 0 : i32
        %dma_start3A_31 = tpu.memref_slice %arg8[%mul3A_30, %dma_start3A] : memref<10240x64xf32, #tpu.memory_space<hbm>> -> memref<640x64xf32, #tpu.memory_space<hbm>>
        %dma_start3A_32 = arith.constant 0 : i32
        %dma_start3A_33 = tpu.memref_slice %arg10[%mul3A_28, %dma_start3A_32] : memref<10240x64xf32, #tpu.memory_space<vmem_shared>> -> memref<640x64xf32, #tpu.memory_space<vmem_shared>>
        tpu.enqueue_dma source(%dma_start3A_33 : memref<640x64xf32, #tpu.memory_space<vmem_shared>>) target(%dma_start3A_31 : memref<640x64xf32, #tpu.memory_space<hbm>>) target_semaphore(%run_scoped3A : memref<!tpu.dma_semaphore, #tpu.memory_space<semaphore_mem>>)
        %dma_wait3A = arith.constant 0 : i32
        %dma_wait3A_34 = tpu.memref_slice %arg8[%mul3A_30, %dma_wait3A] : memref<10240x64xf32, #tpu.memory_space<hbm>> -> memref<640x64xf32, #tpu.memory_space<hbm>>
        %dma_wait3A_35 = arith.constant 0 : i32
        %dma_wait3A_36 = tpu.memref_slice %arg10[%mul3A_28, %dma_wait3A_35] : memref<10240x64xf32, #tpu.memory_space<vmem_shared>> -> memref<640x64xf32, #tpu.memory_space<vmem_shared>>
        tpu.wait_dma2 semaphore(%run_scoped3A : memref<!tpu.dma_semaphore, #tpu.memory_space<semaphore_mem>>) src(%dma_wait3A_36 : memref<640x64xf32, #tpu.memory_space<vmem_shared>>) dst(%dma_wait3A_34 : memref<640x64xf32, #tpu.memory_space<hbm>>)
        tpu.yield
      }) : () -> ()
    } else {
    }
    %eq3A_23 = arith.constant 1 : i32
    %eq3A_24 = arith.cmpi eq, %arg0, %eq3A_23 : i32
    %convert_element_type3A_25 = arith.extui %eq3A_24 : i1 to i32
    %cond3A_26 = arith.constant 0 : i32
    %cond3A_27 = arith.cmpi ne, %convert_element_type3A_25, %cond3A_26 : i32
    scf.if %cond3A_27 {
      %mul3A = arith.constant 640 : i32
      %mul3A_28 = arith.muli %arg1, %mul3A : i32
      %mul3A_29 = arith.constant 640 : i32
      %mul3A_30 = arith.muli %arg1, %mul3A_29 : i32
      "tpu.region"() ({
        %run_scoped3A = tpu.sem_alloc : memref<!tpu.dma_semaphore, #tpu.memory_space<semaphore_mem>>
        %dma_start3A = arith.constant 0 : i32
        %dma_start3A_31 = tpu.memref_slice %arg9[%mul3A_30, %dma_start3A] : memref<10240x64xf32, #tpu.memory_space<hbm>> -> memref<640x64xf32, #tpu.memory_space<hbm>>
        %dma_start3A_32 = arith.constant 0 : i32
        %dma_start3A_33 = tpu.memref_slice %arg10[%mul3A_28, %dma_start3A_32] : memref<10240x64xf32, #tpu.memory_space<vmem_shared>> -> memref<640x64xf32, #tpu.memory_space<vmem_shared>>
        tpu.enqueue_dma source(%dma_start3A_33 : memref<640x64xf32, #tpu.memory_space<vmem_shared>>) target(%dma_start3A_31 : memref<640x64xf32, #tpu.memory_space<hbm>>) target_semaphore(%run_scoped3A : memref<!tpu.dma_semaphore, #tpu.memory_space<semaphore_mem>>)
        %dma_wait3A = arith.constant 0 : i32
        %dma_wait3A_34 = tpu.memref_slice %arg9[%mul3A_30, %dma_wait3A] : memref<10240x64xf32, #tpu.memory_space<hbm>> -> memref<640x64xf32, #tpu.memory_space<hbm>>
        %dma_wait3A_35 = arith.constant 0 : i32
        %dma_wait3A_36 = tpu.memref_slice %arg10[%mul3A_28, %dma_wait3A_35] : memref<10240x64xf32, #tpu.memory_space<vmem_shared>> -> memref<640x64xf32, #tpu.memory_space<vmem_shared>>
        tpu.wait_dma2 semaphore(%run_scoped3A : memref<!tpu.dma_semaphore, #tpu.memory_space<semaphore_mem>>) src(%dma_wait3A_36 : memref<640x64xf32, #tpu.memory_space<vmem_shared>>) dst(%dma_wait3A_34 : memref<640x64xf32, #tpu.memory_space<hbm>>)
        tpu.yield
      }) : () -> ()
    } else {
    }
    return
  }
}

#map = affine_map<(d0, d1) -> (0, 0, 0)>
#map1 = affine_map<(d0, d1) -> (0, 0)>
module attributes {stable_mosaic.version = 14 : i64} {
  func.func @_sc_deg_body(%arg0: i32, %arg1: i32, %arg2: memref<16x158x128xi32, #tpu.memory_space<hbm>>, %arg3: memref<16x158x128xi32, #tpu.memory_space<hbm>>, %arg4: memref<128x8xf32, #tpu.memory_space<hbm>>, %arg5: memref<10240x8xf32, #tpu.memory_space<hbm>>, %arg6: memref<10240x8xf32, #tpu.memory_space<hbm>>, %arg7: memref<10240x8xf32, #tpu.memory_space<hbm>>, %arg8: memref<10240x8xf32, #tpu.memory_space<vmem_shared>>, %arg9: memref<158x128xi32, #tpu.memory_space<vmem>>, %arg10: memref<128x8xf32, #tpu.memory_space<vmem>>) attributes {dimension_semantics = [#tpu.dimension_semantics<core_parallel>, #tpu.dimension_semantics<subcore_parallel>], iteration_bounds = array<i64: 2, 16>, scalar_prefetch = 0 : i64, scratch_operands = 3 : i64, tpu.core_type = #tpu.core_type<sc_vector_subcore>, window_params = [{transform_indices = #map}, {transform_indices = #map}, {transform_indices = #map1}, {transform_indices = #map1}, {transform_indices = #map1}, {transform_indices = #map1}]} {
    %mul3A = arith.constant 640 : i32
    %mul3A_0 = arith.muli %arg1, %mul3A : i32
    %mul3A_1 = arith.constant 640 : i32
    %mul3A_2 = arith.muli %arg1, %mul3A_1 : i32
    "tpu.region"() ({
      %run_scoped3A = tpu.sem_alloc : memref<!tpu.dma_semaphore, #tpu.memory_space<semaphore_mem>>
      %dma_start3A = arith.constant 0 : i32
      %dma_start3A_26 = tpu.memref_slice %arg8[%mul3A_2, %dma_start3A] : memref<10240x8xf32, #tpu.memory_space<vmem_shared>> -> memref<640x8xf32, #tpu.memory_space<vmem_shared>>
      %dma_start3A_27 = arith.constant 0 : i32
      %dma_start3A_28 = tpu.memref_slice %arg5[%mul3A_0, %dma_start3A_27] : memref<10240x8xf32, #tpu.memory_space<hbm>> -> memref<640x8xf32, #tpu.memory_space<hbm>>
      tpu.enqueue_dma source(%dma_start3A_28 : memref<640x8xf32, #tpu.memory_space<hbm>>) target(%dma_start3A_26 : memref<640x8xf32, #tpu.memory_space<vmem_shared>>) target_semaphore(%run_scoped3A : memref<!tpu.dma_semaphore, #tpu.memory_space<semaphore_mem>>)
      %dma_wait3A = arith.constant 0 : i32
      %dma_wait3A_29 = tpu.memref_slice %arg8[%mul3A_2, %dma_wait3A] : memref<10240x8xf32, #tpu.memory_space<vmem_shared>> -> memref<640x8xf32, #tpu.memory_space<vmem_shared>>
      %dma_wait3A_30 = arith.constant 0 : i32
      %dma_wait3A_31 = tpu.memref_slice %arg5[%mul3A_0, %dma_wait3A_30] : memref<10240x8xf32, #tpu.memory_space<hbm>> -> memref<640x8xf32, #tpu.memory_space<hbm>>
      tpu.wait_dma2 semaphore(%run_scoped3A : memref<!tpu.dma_semaphore, #tpu.memory_space<semaphore_mem>>) src(%dma_wait3A_31 : memref<640x8xf32, #tpu.memory_space<hbm>>) dst(%dma_wait3A_29 : memref<640x8xf32, #tpu.memory_space<vmem_shared>>)
      tpu.yield
    }) : () -> ()
    "tpu.region"() ({
      %run_scoped3A = tpu.sem_alloc : memref<!tpu.dma_semaphore, #tpu.memory_space<semaphore_mem>>
      tpu.enqueue_dma source(%arg4 : memref<128x8xf32, #tpu.memory_space<hbm>>) target(%arg10 : memref<128x8xf32, #tpu.memory_space<vmem>>) target_semaphore(%run_scoped3A : memref<!tpu.dma_semaphore, #tpu.memory_space<semaphore_mem>>)
      tpu.wait_dma2 semaphore(%run_scoped3A : memref<!tpu.dma_semaphore, #tpu.memory_space<semaphore_mem>>) src(%arg4 : memref<128x8xf32, #tpu.memory_space<hbm>>) dst(%arg10 : memref<128x8xf32, #tpu.memory_space<vmem>>)
      tpu.yield
    }) : () -> ()
    %eq3A = arith.constant 0 : i32
    %eq3A_3 = arith.cmpi eq, %arg0, %eq3A : i32
    %convert_element_type3A = arith.extui %eq3A_3 : i1 to i32
    %cond3A = arith.constant 0 : i32
    %cond3A_4 = arith.cmpi ne, %convert_element_type3A, %cond3A : i32
    scf.if %cond3A_4 {
      "tpu.region"() ({
        %run_scoped3A = tpu.sem_alloc : memref<!tpu.dma_semaphore, #tpu.memory_space<semaphore_mem>>
        %dma_start3A = arith.constant 0 : i32
        %dma_start3A_26 = arith.constant 0 : i32
        %dma_start3A_27 = tpu.memref_slice %arg2[%arg1, %dma_start3A, %dma_start3A_26] : memref<16x158x128xi32, #tpu.memory_space<hbm>> -> memref<1x158x128xi32, #tpu.memory_space<hbm>>
        %dma_start3A_28 = tpu.memref_squeeze %dma_start3A_27 : memref<1x158x128xi32, #tpu.memory_space<hbm>> -> memref<158x128xi32, #tpu.memory_space<hbm>>
        %dma_start3A_29 = arith.constant 0 : i32
        %dma_start3A_30 = arith.constant 0 : i32
        %dma_start3A_31 = tpu.memref_slice %arg2[%arg1, %dma_start3A_29, %dma_start3A_30] : memref<16x158x128xi32, #tpu.memory_space<hbm>> -> memref<1x158x128xi32, #tpu.memory_space<hbm>>
        %dma_start3A_32 = tpu.memref_squeeze %dma_start3A_31 : memref<1x158x128xi32, #tpu.memory_space<hbm>> -> memref<158x128xi32, #tpu.memory_space<hbm>>
        tpu.enqueue_dma source(%dma_start3A_32 : memref<158x128xi32, #tpu.memory_space<hbm>>) target(%arg9 : memref<158x128xi32, #tpu.memory_space<vmem>>) target_semaphore(%run_scoped3A : memref<!tpu.dma_semaphore, #tpu.memory_space<semaphore_mem>>)
        %dma_wait3A = arith.constant 0 : i32
        %dma_wait3A_33 = arith.constant 0 : i32
        %dma_wait3A_34 = tpu.memref_slice %arg2[%arg1, %dma_wait3A, %dma_wait3A_33] : memref<16x158x128xi32, #tpu.memory_space<hbm>> -> memref<1x158x128xi32, #tpu.memory_space<hbm>>
        %dma_wait3A_35 = tpu.memref_squeeze %dma_wait3A_34 : memref<1x158x128xi32, #tpu.memory_space<hbm>> -> memref<158x128xi32, #tpu.memory_space<hbm>>
        %dma_wait3A_36 = arith.constant 0 : i32
        %dma_wait3A_37 = arith.constant 0 : i32
        %dma_wait3A_38 = tpu.memref_slice %arg2[%arg1, %dma_wait3A_36, %dma_wait3A_37] : memref<16x158x128xi32, #tpu.memory_space<hbm>> -> memref<1x158x128xi32, #tpu.memory_space<hbm>>
        %dma_wait3A_39 = tpu.memref_squeeze %dma_wait3A_38 : memref<1x158x128xi32, #tpu.memory_space<hbm>> -> memref<158x128xi32, #tpu.memory_space<hbm>>
        tpu.wait_dma2 semaphore(%run_scoped3A : memref<!tpu.dma_semaphore, #tpu.memory_space<semaphore_mem>>) src(%dma_wait3A_39 : memref<158x128xi32, #tpu.memory_space<hbm>>) dst(%arg9 : memref<158x128xi32, #tpu.memory_space<vmem>>)
        tpu.yield
      }) : () -> ()
    } else {
    }
    %eq3A_5 = arith.constant 1 : i32
    %eq3A_6 = arith.cmpi eq, %arg0, %eq3A_5 : i32
    %convert_element_type3A_7 = arith.extui %eq3A_6 : i1 to i32
    %cond3A_8 = arith.constant 0 : i32
    %cond3A_9 = arith.cmpi ne, %convert_element_type3A_7, %cond3A_8 : i32
    scf.if %cond3A_9 {
      "tpu.region"() ({
        %run_scoped3A = tpu.sem_alloc : memref<!tpu.dma_semaphore, #tpu.memory_space<semaphore_mem>>
        %dma_start3A = arith.constant 0 : i32
        %dma_start3A_26 = arith.constant 0 : i32
        %dma_start3A_27 = tpu.memref_slice %arg3[%arg1, %dma_start3A, %dma_start3A_26] : memref<16x158x128xi32, #tpu.memory_space<hbm>> -> memref<1x158x128xi32, #tpu.memory_space<hbm>>
        %dma_start3A_28 = tpu.memref_squeeze %dma_start3A_27 : memref<1x158x128xi32, #tpu.memory_space<hbm>> -> memref<158x128xi32, #tpu.memory_space<hbm>>
        %dma_start3A_29 = arith.constant 0 : i32
        %dma_start3A_30 = arith.constant 0 : i32
        %dma_start3A_31 = tpu.memref_slice %arg3[%arg1, %dma_start3A_29, %dma_start3A_30] : memref<16x158x128xi32, #tpu.memory_space<hbm>> -> memref<1x158x128xi32, #tpu.memory_space<hbm>>
        %dma_start3A_32 = tpu.memref_squeeze %dma_start3A_31 : memref<1x158x128xi32, #tpu.memory_space<hbm>> -> memref<158x128xi32, #tpu.memory_space<hbm>>
        tpu.enqueue_dma source(%dma_start3A_32 : memref<158x128xi32, #tpu.memory_space<hbm>>) target(%arg9 : memref<158x128xi32, #tpu.memory_space<vmem>>) target_semaphore(%run_scoped3A : memref<!tpu.dma_semaphore, #tpu.memory_space<semaphore_mem>>)
        %dma_wait3A = arith.constant 0 : i32
        %dma_wait3A_33 = arith.constant 0 : i32
        %dma_wait3A_34 = tpu.memref_slice %arg3[%arg1, %dma_wait3A, %dma_wait3A_33] : memref<16x158x128xi32, #tpu.memory_space<hbm>> -> memref<1x158x128xi32, #tpu.memory_space<hbm>>
        %dma_wait3A_35 = tpu.memref_squeeze %dma_wait3A_34 : memref<1x158x128xi32, #tpu.memory_space<hbm>> -> memref<158x128xi32, #tpu.memory_space<hbm>>
        %dma_wait3A_36 = arith.constant 0 : i32
        %dma_wait3A_37 = arith.constant 0 : i32
        %dma_wait3A_38 = tpu.memref_slice %arg3[%arg1, %dma_wait3A_36, %dma_wait3A_37] : memref<16x158x128xi32, #tpu.memory_space<hbm>> -> memref<1x158x128xi32, #tpu.memory_space<hbm>>
        %dma_wait3A_39 = tpu.memref_squeeze %dma_wait3A_38 : memref<1x158x128xi32, #tpu.memory_space<hbm>> -> memref<158x128xi32, #tpu.memory_space<hbm>>
        tpu.wait_dma2 semaphore(%run_scoped3A : memref<!tpu.dma_semaphore, #tpu.memory_space<semaphore_mem>>) src(%dma_wait3A_39 : memref<158x128xi32, #tpu.memory_space<hbm>>) dst(%arg9 : memref<158x128xi32, #tpu.memory_space<vmem>>)
        tpu.yield
      }) : () -> ()
    } else {
    }
    %barrier3A = arith.constant 0 : index
    tpu.barrier barrier_id(%barrier3A)
    %scan3A = arith.constant 0 : i32
    %scan3A_10 = arith.constant 0 : i32
    %scan3A_11 = arith.constant 158 : i32
    %scan3A_12 = arith.addi %scan3A_10, %scan3A_11 : i32
    %scan3A_13 = arith.constant 1 : i32
    scf.for %scan3A_26 = %scan3A_10 to %scan3A_12 step %scan3A_13  : i32 {
      "tpu.region"() ({
        %run_scoped3A = tpu.sem_alloc : memref<!tpu.dma_semaphore, #tpu.memory_space<semaphore_mem>>
        %dma_start3A = arith.constant 0 : i32
        %dma_start3A_27 = tpu.memref_slice %arg9[%scan3A_26, %dma_start3A] : memref<158x128xi32, #tpu.memory_space<vmem>> -> memref<1x128xi32, #tpu.memory_space<vmem>>
        %dma_start3A_28 = tpu.memref_squeeze %dma_start3A_27 : memref<1x128xi32, #tpu.memory_space<vmem>> -> memref<128xi32, #tpu.memory_space<vmem>>
        %dma_start3A_29 = arith.constant 0 : i32
        %dma_start3A_30 = arith.constant 0 : i32
        %dma_start3A_31 = tpu.memref_slice %arg8[%dma_start3A_29, %dma_start3A_30] : memref<10240x8xf32, #tpu.memory_space<vmem_shared>> -> memref<10240x8xf32, #tpu.memory_space<vmem_shared>>
        tpu.enqueue_indirect_dma source(%arg10 : memref<128x8xf32, #tpu.memory_space<vmem>>) target(%dma_start3A_31 : memref<10240x8xf32, #tpu.memory_space<vmem_shared>>) offsets(%dma_start3A_28 : memref<128xi32, #tpu.memory_space<vmem>>) semaphore(%run_scoped3A : memref<!tpu.dma_semaphore, #tpu.memory_space<semaphore_mem>>) {add = true}
        %dma_wait3A = arith.constant 0 : i32
        %dma_wait3A_32 = tpu.memref_slice %arg9[%scan3A_26, %dma_wait3A] : memref<158x128xi32, #tpu.memory_space<vmem>> -> memref<1x128xi32, #tpu.memory_space<vmem>>
        %dma_wait3A_33 = tpu.memref_squeeze %dma_wait3A_32 : memref<1x128xi32, #tpu.memory_space<vmem>> -> memref<128xi32, #tpu.memory_space<vmem>>
        %dma_wait3A_34 = arith.constant 0 : i32
        %dma_wait3A_35 = arith.constant 0 : i32
        %dma_wait3A_36 = tpu.memref_slice %arg8[%dma_wait3A_34, %dma_wait3A_35] : memref<10240x8xf32, #tpu.memory_space<vmem_shared>> -> memref<10240x8xf32, #tpu.memory_space<vmem_shared>>
        tpu.wait_indirect_dma semaphore(%run_scoped3A : memref<!tpu.dma_semaphore, #tpu.memory_space<semaphore_mem>>) src(%arg10 : memref<128x8xf32, #tpu.memory_space<vmem>>) dst(%dma_wait3A_36 : memref<10240x8xf32, #tpu.memory_space<vmem_shared>>)
        tpu.yield
      }) : () -> ()
    }
    %scan3A_14 = arith.constant 158 : i32
    %barrier3A_15 = arith.constant 0 : index
    tpu.barrier barrier_id(%barrier3A_15)
    %eq3A_16 = arith.constant 0 : i32
    %eq3A_17 = arith.cmpi eq, %arg0, %eq3A_16 : i32
    %convert_element_type3A_18 = arith.extui %eq3A_17 : i1 to i32
    %cond3A_19 = arith.constant 0 : i32
    %cond3A_20 = arith.cmpi ne, %convert_element_type3A_18, %cond3A_19 : i32
    scf.if %cond3A_20 {
      %mul3A_26 = arith.constant 640 : i32
      %mul3A_27 = arith.muli %arg1, %mul3A_26 : i32
      %mul3A_28 = arith.constant 640 : i32
      %mul3A_29 = arith.muli %arg1, %mul3A_28 : i32
      "tpu.region"() ({
        %run_scoped3A = tpu.sem_alloc : memref<!tpu.dma_semaphore, #tpu.memory_space<semaphore_mem>>
        %dma_start3A = arith.constant 0 : i32
        %dma_start3A_30 = tpu.memref_slice %arg6[%mul3A_29, %dma_start3A] : memref<10240x8xf32, #tpu.memory_space<hbm>> -> memref<640x8xf32, #tpu.memory_space<hbm>>
        %dma_start3A_31 = arith.constant 0 : i32
        %dma_start3A_32 = tpu.memref_slice %arg8[%mul3A_27, %dma_start3A_31] : memref<10240x8xf32, #tpu.memory_space<vmem_shared>> -> memref<640x8xf32, #tpu.memory_space<vmem_shared>>
        tpu.enqueue_dma source(%dma_start3A_32 : memref<640x8xf32, #tpu.memory_space<vmem_shared>>) target(%dma_start3A_30 : memref<640x8xf32, #tpu.memory_space<hbm>>) target_semaphore(%run_scoped3A : memref<!tpu.dma_semaphore, #tpu.memory_space<semaphore_mem>>)
        %dma_wait3A = arith.constant 0 : i32
        %dma_wait3A_33 = tpu.memref_slice %arg6[%mul3A_29, %dma_wait3A] : memref<10240x8xf32, #tpu.memory_space<hbm>> -> memref<640x8xf32, #tpu.memory_space<hbm>>
        %dma_wait3A_34 = arith.constant 0 : i32
        %dma_wait3A_35 = tpu.memref_slice %arg8[%mul3A_27, %dma_wait3A_34] : memref<10240x8xf32, #tpu.memory_space<vmem_shared>> -> memref<640x8xf32, #tpu.memory_space<vmem_shared>>
        tpu.wait_dma2 semaphore(%run_scoped3A : memref<!tpu.dma_semaphore, #tpu.memory_space<semaphore_mem>>) src(%dma_wait3A_35 : memref<640x8xf32, #tpu.memory_space<vmem_shared>>) dst(%dma_wait3A_33 : memref<640x8xf32, #tpu.memory_space<hbm>>)
        tpu.yield
      }) : () -> ()
    } else {
    }
    %eq3A_21 = arith.constant 1 : i32
    %eq3A_22 = arith.cmpi eq, %arg0, %eq3A_21 : i32
    %convert_element_type3A_23 = arith.extui %eq3A_22 : i1 to i32
    %cond3A_24 = arith.constant 0 : i32
    %cond3A_25 = arith.cmpi ne, %convert_element_type3A_23, %cond3A_24 : i32
    scf.if %cond3A_25 {
      %mul3A_26 = arith.constant 640 : i32
      %mul3A_27 = arith.muli %arg1, %mul3A_26 : i32
      %mul3A_28 = arith.constant 640 : i32
      %mul3A_29 = arith.muli %arg1, %mul3A_28 : i32
      "tpu.region"() ({
        %run_scoped3A = tpu.sem_alloc : memref<!tpu.dma_semaphore, #tpu.memory_space<semaphore_mem>>
        %dma_start3A = arith.constant 0 : i32
        %dma_start3A_30 = tpu.memref_slice %arg7[%mul3A_29, %dma_start3A] : memref<10240x8xf32, #tpu.memory_space<hbm>> -> memref<640x8xf32, #tpu.memory_space<hbm>>
        %dma_start3A_31 = arith.constant 0 : i32
        %dma_start3A_32 = tpu.memref_slice %arg8[%mul3A_27, %dma_start3A_31] : memref<10240x8xf32, #tpu.memory_space<vmem_shared>> -> memref<640x8xf32, #tpu.memory_space<vmem_shared>>
        tpu.enqueue_dma source(%dma_start3A_32 : memref<640x8xf32, #tpu.memory_space<vmem_shared>>) target(%dma_start3A_30 : memref<640x8xf32, #tpu.memory_space<hbm>>) target_semaphore(%run_scoped3A : memref<!tpu.dma_semaphore, #tpu.memory_space<semaphore_mem>>)
        %dma_wait3A = arith.constant 0 : i32
        %dma_wait3A_33 = tpu.memref_slice %arg7[%mul3A_29, %dma_wait3A] : memref<10240x8xf32, #tpu.memory_space<hbm>> -> memref<640x8xf32, #tpu.memory_space<hbm>>
        %dma_wait3A_34 = arith.constant 0 : i32
        %dma_wait3A_35 = tpu.memref_slice %arg8[%mul3A_27, %dma_wait3A_34] : memref<10240x8xf32, #tpu.memory_space<vmem_shared>> -> memref<640x8xf32, #tpu.memory_space<vmem_shared>>
        tpu.wait_dma2 semaphore(%run_scoped3A : memref<!tpu.dma_semaphore, #tpu.memory_space<semaphore_mem>>) src(%dma_wait3A_35 : memref<640x8xf32, #tpu.memory_space<vmem_shared>>) dst(%dma_wait3A_33 : memref<640x8xf32, #tpu.memory_space<hbm>>)
        tpu.yield
      }) : () -> ()
    } else {
    }
    return
  }
}

#map = affine_map<(d0, d1) -> (0, 0)>
#map1 = affine_map<(d0, d1) -> (0, 0, 0)>
module attributes {stable_mosaic.version = 14 : i64} {
  func.func @_sc_agg_body(%arg0: i32, %arg1: i32, %arg2: memref<10240x64xf32, #tpu.memory_space<hbm>>, %arg3: memref<10240x64xf32, #tpu.memory_space<hbm>>, %arg4: memref<16x160x128xi32, #tpu.memory_space<hbm>>, %arg5: memref<16x158x128xi32, #tpu.memory_space<hbm>>, %arg6: memref<16x160x128xi32, #tpu.memory_space<hbm>>, %arg7: memref<16x158x128xi32, #tpu.memory_space<hbm>>, %arg8: memref<10240x64xf32, #tpu.memory_space<hbm>>, %arg9: memref<10240x64xf32, #tpu.memory_space<hbm>>, %arg10: memref<10240x64xf32, #tpu.memory_space<vmem_shared>>, %arg11: memref<160x128xi32, #tpu.memory_space<vmem>>, %arg12: memref<158x128xi32, #tpu.memory_space<vmem>>, %arg13: memref<128x64xf32, #tpu.memory_space<vmem>>, %arg14: memref<128x64xf32, #tpu.memory_space<vmem>>, %arg15: memref<!tpu.dma_semaphore, #tpu.memory_space<semaphore_mem>>, %arg16: memref<!tpu.dma_semaphore, #tpu.memory_space<semaphore_mem>>) attributes {dimension_semantics = [#tpu.dimension_semantics<core_parallel>, #tpu.dimension_semantics<subcore_parallel>], iteration_bounds = array<i64: 2, 16>, scalar_prefetch = 0 : i64, scratch_operands = 7 : i64, tpu.core_type = #tpu.core_type<sc_vector_subcore>, window_params = [{transform_indices = #map}, {transform_indices = #map}, {transform_indices = #map1}, {transform_indices = #map1}, {transform_indices = #map1}, {transform_indices = #map1}, {transform_indices = #map}, {transform_indices = #map}]} {
    %eq3A = arith.constant 0 : i32
    %eq3A_0 = arith.cmpi eq, %arg0, %eq3A : i32
    %convert_element_type3A = arith.extui %eq3A_0 : i1 to i32
    %cond3A = arith.constant 0 : i32
    %cond3A_1 = arith.cmpi ne, %convert_element_type3A, %cond3A : i32
    scf.if %cond3A_1 {
      %mul3A = arith.constant 640 : i32
      %mul3A_28 = arith.muli %arg1, %mul3A : i32
      %mul3A_29 = arith.constant 640 : i32
      %mul3A_30 = arith.muli %arg1, %mul3A_29 : i32
      "tpu.region"() ({
        %run_scoped3A = tpu.sem_alloc : memref<!tpu.dma_semaphore, #tpu.memory_space<semaphore_mem>>
        %dma_start3A = arith.constant 0 : i32
        %dma_start3A_31 = tpu.memref_slice %arg10[%mul3A_30, %dma_start3A] : memref<10240x64xf32, #tpu.memory_space<vmem_shared>> -> memref<640x64xf32, #tpu.memory_space<vmem_shared>>
        %dma_start3A_32 = arith.constant 0 : i32
        %dma_start3A_33 = tpu.memref_slice %arg2[%mul3A_28, %dma_start3A_32] : memref<10240x64xf32, #tpu.memory_space<hbm>> -> memref<640x64xf32, #tpu.memory_space<hbm>>
        tpu.enqueue_dma source(%dma_start3A_33 : memref<640x64xf32, #tpu.memory_space<hbm>>) target(%dma_start3A_31 : memref<640x64xf32, #tpu.memory_space<vmem_shared>>) target_semaphore(%run_scoped3A : memref<!tpu.dma_semaphore, #tpu.memory_space<semaphore_mem>>)
        %dma_wait3A = arith.constant 0 : i32
        %dma_wait3A_34 = tpu.memref_slice %arg10[%mul3A_30, %dma_wait3A] : memref<10240x64xf32, #tpu.memory_space<vmem_shared>> -> memref<640x64xf32, #tpu.memory_space<vmem_shared>>
        %dma_wait3A_35 = arith.constant 0 : i32
        %dma_wait3A_36 = tpu.memref_slice %arg2[%mul3A_28, %dma_wait3A_35] : memref<10240x64xf32, #tpu.memory_space<hbm>> -> memref<640x64xf32, #tpu.memory_space<hbm>>
        tpu.wait_dma2 semaphore(%run_scoped3A : memref<!tpu.dma_semaphore, #tpu.memory_space<semaphore_mem>>) src(%dma_wait3A_36 : memref<640x64xf32, #tpu.memory_space<hbm>>) dst(%dma_wait3A_34 : memref<640x64xf32, #tpu.memory_space<vmem_shared>>)
        tpu.yield
      }) : () -> ()
      "tpu.region"() ({
        %run_scoped3A = tpu.sem_alloc : memref<!tpu.dma_semaphore, #tpu.memory_space<semaphore_mem>>
        %dma_start3A = arith.constant 0 : i32
        %dma_start3A_31 = arith.constant 0 : i32
        %dma_start3A_32 = tpu.memref_slice %arg4[%arg1, %dma_start3A, %dma_start3A_31] : memref<16x160x128xi32, #tpu.memory_space<hbm>> -> memref<1x160x128xi32, #tpu.memory_space<hbm>>
        %dma_start3A_33 = tpu.memref_squeeze %dma_start3A_32 : memref<1x160x128xi32, #tpu.memory_space<hbm>> -> memref<160x128xi32, #tpu.memory_space<hbm>>
        %dma_start3A_34 = arith.constant 0 : i32
        %dma_start3A_35 = arith.constant 0 : i32
        %dma_start3A_36 = tpu.memref_slice %arg4[%arg1, %dma_start3A_34, %dma_start3A_35] : memref<16x160x128xi32, #tpu.memory_space<hbm>> -> memref<1x160x128xi32, #tpu.memory_space<hbm>>
        %dma_start3A_37 = tpu.memref_squeeze %dma_start3A_36 : memref<1x160x128xi32, #tpu.memory_space<hbm>> -> memref<160x128xi32, #tpu.memory_space<hbm>>
        tpu.enqueue_dma source(%dma_start3A_37 : memref<160x128xi32, #tpu.memory_space<hbm>>) target(%arg11 : memref<160x128xi32, #tpu.memory_space<vmem>>) target_semaphore(%run_scoped3A : memref<!tpu.dma_semaphore, #tpu.memory_space<semaphore_mem>>)
        %dma_wait3A = arith.constant 0 : i32
        %dma_wait3A_38 = arith.constant 0 : i32
        %dma_wait3A_39 = tpu.memref_slice %arg4[%arg1, %dma_wait3A, %dma_wait3A_38] : memref<16x160x128xi32, #tpu.memory_space<hbm>> -> memref<1x160x128xi32, #tpu.memory_space<hbm>>
        %dma_wait3A_40 = tpu.memref_squeeze %dma_wait3A_39 : memref<1x160x128xi32, #tpu.memory_space<hbm>> -> memref<160x128xi32, #tpu.memory_space<hbm>>
        %dma_wait3A_41 = arith.constant 0 : i32
        %dma_wait3A_42 = arith.constant 0 : i32
        %dma_wait3A_43 = tpu.memref_slice %arg4[%arg1, %dma_wait3A_41, %dma_wait3A_42] : memref<16x160x128xi32, #tpu.memory_space<hbm>> -> memref<1x160x128xi32, #tpu.memory_space<hbm>>
        %dma_wait3A_44 = tpu.memref_squeeze %dma_wait3A_43 : memref<1x160x128xi32, #tpu.memory_space<hbm>> -> memref<160x128xi32, #tpu.memory_space<hbm>>
        tpu.wait_dma2 semaphore(%run_scoped3A : memref<!tpu.dma_semaphore, #tpu.memory_space<semaphore_mem>>) src(%dma_wait3A_44 : memref<160x128xi32, #tpu.memory_space<hbm>>) dst(%arg11 : memref<160x128xi32, #tpu.memory_space<vmem>>)
        tpu.yield
      }) : () -> ()
      "tpu.region"() ({
        %run_scoped3A = tpu.sem_alloc : memref<!tpu.dma_semaphore, #tpu.memory_space<semaphore_mem>>
        %dma_start3A = arith.constant 0 : i32
        %dma_start3A_31 = arith.constant 0 : i32
        %dma_start3A_32 = tpu.memref_slice %arg5[%arg1, %dma_start3A, %dma_start3A_31] : memref<16x158x128xi32, #tpu.memory_space<hbm>> -> memref<1x158x128xi32, #tpu.memory_space<hbm>>
        %dma_start3A_33 = tpu.memref_squeeze %dma_start3A_32 : memref<1x158x128xi32, #tpu.memory_space<hbm>> -> memref<158x128xi32, #tpu.memory_space<hbm>>
        %dma_start3A_34 = arith.constant 0 : i32
        %dma_start3A_35 = arith.constant 0 : i32
        %dma_start3A_36 = tpu.memref_slice %arg5[%arg1, %dma_start3A_34, %dma_start3A_35] : memref<16x158x128xi32, #tpu.memory_space<hbm>> -> memref<1x158x128xi32, #tpu.memory_space<hbm>>
        %dma_start3A_37 = tpu.memref_squeeze %dma_start3A_36 : memref<1x158x128xi32, #tpu.memory_space<hbm>> -> memref<158x128xi32, #tpu.memory_space<hbm>>
        tpu.enqueue_dma source(%dma_start3A_37 : memref<158x128xi32, #tpu.memory_space<hbm>>) target(%arg12 : memref<158x128xi32, #tpu.memory_space<vmem>>) target_semaphore(%run_scoped3A : memref<!tpu.dma_semaphore, #tpu.memory_space<semaphore_mem>>)
        %dma_wait3A = arith.constant 0 : i32
        %dma_wait3A_38 = arith.constant 0 : i32
        %dma_wait3A_39 = tpu.memref_slice %arg5[%arg1, %dma_wait3A, %dma_wait3A_38] : memref<16x158x128xi32, #tpu.memory_space<hbm>> -> memref<1x158x128xi32, #tpu.memory_space<hbm>>
        %dma_wait3A_40 = tpu.memref_squeeze %dma_wait3A_39 : memref<1x158x128xi32, #tpu.memory_space<hbm>> -> memref<158x128xi32, #tpu.memory_space<hbm>>
        %dma_wait3A_41 = arith.constant 0 : i32
        %dma_wait3A_42 = arith.constant 0 : i32
        %dma_wait3A_43 = tpu.memref_slice %arg5[%arg1, %dma_wait3A_41, %dma_wait3A_42] : memref<16x158x128xi32, #tpu.memory_space<hbm>> -> memref<1x158x128xi32, #tpu.memory_space<hbm>>
        %dma_wait3A_44 = tpu.memref_squeeze %dma_wait3A_43 : memref<1x158x128xi32, #tpu.memory_space<hbm>> -> memref<158x128xi32, #tpu.memory_space<hbm>>
        tpu.wait_dma2 semaphore(%run_scoped3A : memref<!tpu.dma_semaphore, #tpu.memory_space<semaphore_mem>>) src(%dma_wait3A_44 : memref<158x128xi32, #tpu.memory_space<hbm>>) dst(%arg12 : memref<158x128xi32, #tpu.memory_space<vmem>>)
        tpu.yield
      }) : () -> ()
    } else {
    }
    %eq3A_2 = arith.constant 1 : i32
    %eq3A_3 = arith.cmpi eq, %arg0, %eq3A_2 : i32
    %convert_element_type3A_4 = arith.extui %eq3A_3 : i1 to i32
    %cond3A_5 = arith.constant 0 : i32
    %cond3A_6 = arith.cmpi ne, %convert_element_type3A_4, %cond3A_5 : i32
    scf.if %cond3A_6 {
      %mul3A = arith.constant 640 : i32
      %mul3A_28 = arith.muli %arg1, %mul3A : i32
      %mul3A_29 = arith.constant 640 : i32
      %mul3A_30 = arith.muli %arg1, %mul3A_29 : i32
      "tpu.region"() ({
        %run_scoped3A = tpu.sem_alloc : memref<!tpu.dma_semaphore, #tpu.memory_space<semaphore_mem>>
        %dma_start3A = arith.constant 0 : i32
        %dma_start3A_31 = tpu.memref_slice %arg10[%mul3A_30, %dma_start3A] : memref<10240x64xf32, #tpu.memory_space<vmem_shared>> -> memref<640x64xf32, #tpu.memory_space<vmem_shared>>
        %dma_start3A_32 = arith.constant 0 : i32
        %dma_start3A_33 = tpu.memref_slice %arg3[%mul3A_28, %dma_start3A_32] : memref<10240x64xf32, #tpu.memory_space<hbm>> -> memref<640x64xf32, #tpu.memory_space<hbm>>
        tpu.enqueue_dma source(%dma_start3A_33 : memref<640x64xf32, #tpu.memory_space<hbm>>) target(%dma_start3A_31 : memref<640x64xf32, #tpu.memory_space<vmem_shared>>) target_semaphore(%run_scoped3A : memref<!tpu.dma_semaphore, #tpu.memory_space<semaphore_mem>>)
        %dma_wait3A = arith.constant 0 : i32
        %dma_wait3A_34 = tpu.memref_slice %arg10[%mul3A_30, %dma_wait3A] : memref<10240x64xf32, #tpu.memory_space<vmem_shared>> -> memref<640x64xf32, #tpu.memory_space<vmem_shared>>
        %dma_wait3A_35 = arith.constant 0 : i32
        %dma_wait3A_36 = tpu.memref_slice %arg3[%mul3A_28, %dma_wait3A_35] : memref<10240x64xf32, #tpu.memory_space<hbm>> -> memref<640x64xf32, #tpu.memory_space<hbm>>
        tpu.wait_dma2 semaphore(%run_scoped3A : memref<!tpu.dma_semaphore, #tpu.memory_space<semaphore_mem>>) src(%dma_wait3A_36 : memref<640x64xf32, #tpu.memory_space<hbm>>) dst(%dma_wait3A_34 : memref<640x64xf32, #tpu.memory_space<vmem_shared>>)
        tpu.yield
      }) : () -> ()
      "tpu.region"() ({
        %run_scoped3A = tpu.sem_alloc : memref<!tpu.dma_semaphore, #tpu.memory_space<semaphore_mem>>
        %dma_start3A = arith.constant 0 : i32
        %dma_start3A_31 = arith.constant 0 : i32
        %dma_start3A_32 = tpu.memref_slice %arg6[%arg1, %dma_start3A, %dma_start3A_31] : memref<16x160x128xi32, #tpu.memory_space<hbm>> -> memref<1x160x128xi32, #tpu.memory_space<hbm>>
        %dma_start3A_33 = tpu.memref_squeeze %dma_start3A_32 : memref<1x160x128xi32, #tpu.memory_space<hbm>> -> memref<160x128xi32, #tpu.memory_space<hbm>>
        %dma_start3A_34 = arith.constant 0 : i32
        %dma_start3A_35 = arith.constant 0 : i32
        %dma_start3A_36 = tpu.memref_slice %arg6[%arg1, %dma_start3A_34, %dma_start3A_35] : memref<16x160x128xi32, #tpu.memory_space<hbm>> -> memref<1x160x128xi32, #tpu.memory_space<hbm>>
        %dma_start3A_37 = tpu.memref_squeeze %dma_start3A_36 : memref<1x160x128xi32, #tpu.memory_space<hbm>> -> memref<160x128xi32, #tpu.memory_space<hbm>>
        tpu.enqueue_dma source(%dma_start3A_37 : memref<160x128xi32, #tpu.memory_space<hbm>>) target(%arg11 : memref<160x128xi32, #tpu.memory_space<vmem>>) target_semaphore(%run_scoped3A : memref<!tpu.dma_semaphore, #tpu.memory_space<semaphore_mem>>)
        %dma_wait3A = arith.constant 0 : i32
        %dma_wait3A_38 = arith.constant 0 : i32
        %dma_wait3A_39 = tpu.memref_slice %arg6[%arg1, %dma_wait3A, %dma_wait3A_38] : memref<16x160x128xi32, #tpu.memory_space<hbm>> -> memref<1x160x128xi32, #tpu.memory_space<hbm>>
        %dma_wait3A_40 = tpu.memref_squeeze %dma_wait3A_39 : memref<1x160x128xi32, #tpu.memory_space<hbm>> -> memref<160x128xi32, #tpu.memory_space<hbm>>
        %dma_wait3A_41 = arith.constant 0 : i32
        %dma_wait3A_42 = arith.constant 0 : i32
        %dma_wait3A_43 = tpu.memref_slice %arg6[%arg1, %dma_wait3A_41, %dma_wait3A_42] : memref<16x160x128xi32, #tpu.memory_space<hbm>> -> memref<1x160x128xi32, #tpu.memory_space<hbm>>
        %dma_wait3A_44 = tpu.memref_squeeze %dma_wait3A_43 : memref<1x160x128xi32, #tpu.memory_space<hbm>> -> memref<160x128xi32, #tpu.memory_space<hbm>>
        tpu.wait_dma2 semaphore(%run_scoped3A : memref<!tpu.dma_semaphore, #tpu.memory_space<semaphore_mem>>) src(%dma_wait3A_44 : memref<160x128xi32, #tpu.memory_space<hbm>>) dst(%arg11 : memref<160x128xi32, #tpu.memory_space<vmem>>)
        tpu.yield
      }) : () -> ()
      "tpu.region"() ({
        %run_scoped3A = tpu.sem_alloc : memref<!tpu.dma_semaphore, #tpu.memory_space<semaphore_mem>>
        %dma_start3A = arith.constant 0 : i32
        %dma_start3A_31 = arith.constant 0 : i32
        %dma_start3A_32 = tpu.memref_slice %arg7[%arg1, %dma_start3A, %dma_start3A_31] : memref<16x158x128xi32, #tpu.memory_space<hbm>> -> memref<1x158x128xi32, #tpu.memory_space<hbm>>
        %dma_start3A_33 = tpu.memref_squeeze %dma_start3A_32 : memref<1x158x128xi32, #tpu.memory_space<hbm>> -> memref<158x128xi32, #tpu.memory_space<hbm>>
        %dma_start3A_34 = arith.constant 0 : i32
        %dma_start3A_35 = arith.constant 0 : i32
        %dma_start3A_36 = tpu.memref_slice %arg7[%arg1, %dma_start3A_34, %dma_start3A_35] : memref<16x158x128xi32, #tpu.memory_space<hbm>> -> memref<1x158x128xi32, #tpu.memory_space<hbm>>
        %dma_start3A_37 = tpu.memref_squeeze %dma_start3A_36 : memref<1x158x128xi32, #tpu.memory_space<hbm>> -> memref<158x128xi32, #tpu.memory_space<hbm>>
        tpu.enqueue_dma source(%dma_start3A_37 : memref<158x128xi32, #tpu.memory_space<hbm>>) target(%arg12 : memref<158x128xi32, #tpu.memory_space<vmem>>) target_semaphore(%run_scoped3A : memref<!tpu.dma_semaphore, #tpu.memory_space<semaphore_mem>>)
        %dma_wait3A = arith.constant 0 : i32
        %dma_wait3A_38 = arith.constant 0 : i32
        %dma_wait3A_39 = tpu.memref_slice %arg7[%arg1, %dma_wait3A, %dma_wait3A_38] : memref<16x158x128xi32, #tpu.memory_space<hbm>> -> memref<1x158x128xi32, #tpu.memory_space<hbm>>
        %dma_wait3A_40 = tpu.memref_squeeze %dma_wait3A_39 : memref<1x158x128xi32, #tpu.memory_space<hbm>> -> memref<158x128xi32, #tpu.memory_space<hbm>>
        %dma_wait3A_41 = arith.constant 0 : i32
        %dma_wait3A_42 = arith.constant 0 : i32
        %dma_wait3A_43 = tpu.memref_slice %arg7[%arg1, %dma_wait3A_41, %dma_wait3A_42] : memref<16x158x128xi32, #tpu.memory_space<hbm>> -> memref<1x158x128xi32, #tpu.memory_space<hbm>>
        %dma_wait3A_44 = tpu.memref_squeeze %dma_wait3A_43 : memref<1x158x128xi32, #tpu.memory_space<hbm>> -> memref<158x128xi32, #tpu.memory_space<hbm>>
        tpu.wait_dma2 semaphore(%run_scoped3A : memref<!tpu.dma_semaphore, #tpu.memory_space<semaphore_mem>>) src(%dma_wait3A_44 : memref<158x128xi32, #tpu.memory_space<hbm>>) dst(%arg12 : memref<158x128xi32, #tpu.memory_space<vmem>>)
        tpu.yield
      }) : () -> ()
    } else {
    }
    %barrier3A = arith.constant 0 : index
    tpu.barrier barrier_id(%barrier3A)
    %eq3A_7 = arith.constant 0 : i32
    %eq3A_8 = arith.cmpi eq, %arg0, %eq3A_7 : i32
    %convert_element_type3A_9 = arith.extui %eq3A_8 : i1 to i32
    %cond3A_10 = arith.constant 0 : i32
    %cond3A_11 = arith.cmpi ne, %convert_element_type3A_9, %cond3A_10 : i32
    scf.if %cond3A_11 {
      %dma_start3A = arith.constant 0 : i32
      %dma_start3A_28 = arith.constant 0 : i32
      %dma_start3A_29 = tpu.memref_slice %arg11[%dma_start3A, %dma_start3A_28] : memref<160x128xi32, #tpu.memory_space<vmem>> -> memref<1x128xi32, #tpu.memory_space<vmem>>
      %dma_start3A_30 = tpu.memref_squeeze %dma_start3A_29 : memref<1x128xi32, #tpu.memory_space<vmem>> -> memref<128xi32, #tpu.memory_space<vmem>>
      %dma_start3A_31 = arith.constant 0 : i32
      %dma_start3A_32 = arith.constant 0 : i32
      %dma_start3A_33 = tpu.memref_slice %arg2[%dma_start3A_31, %dma_start3A_32] : memref<10240x64xf32, #tpu.memory_space<hbm>> -> memref<10240x64xf32, #tpu.memory_space<hbm>>
      tpu.enqueue_indirect_dma source(%dma_start3A_33 : memref<10240x64xf32, #tpu.memory_space<hbm>>) target(%arg13 : memref<128x64xf32, #tpu.memory_space<vmem>>) offsets(%dma_start3A_30 : memref<128xi32, #tpu.memory_space<vmem>>) semaphore(%arg15 : memref<!tpu.dma_semaphore, #tpu.memory_space<semaphore_mem>>)
      %scan3A = arith.constant 0 : i32
      %scan3A_34 = arith.constant 0 : i32
      %scan3A_35 = arith.constant 79 : i32
      %scan3A_36 = arith.addi %scan3A_34, %scan3A_35 : i32
      %scan3A_37 = arith.constant 1 : i32
      scf.for %scan3A_44 = %scan3A_34 to %scan3A_36 step %scan3A_37  : i32 {
        %mul3A = arith.constant 2 : i32
        %mul3A_45 = arith.muli %mul3A, %scan3A_44 : i32
        %add3A = arith.constant 1 : i32
        %add3A_46 = arith.addi %mul3A_45, %add3A : i32
        %dma_start3A_47 = arith.constant 0 : i32
        %dma_start3A_48 = tpu.memref_slice %arg11[%add3A_46, %dma_start3A_47] : memref<160x128xi32, #tpu.memory_space<vmem>> -> memref<1x128xi32, #tpu.memory_space<vmem>>
        %dma_start3A_49 = tpu.memref_squeeze %dma_start3A_48 : memref<1x128xi32, #tpu.memory_space<vmem>> -> memref<128xi32, #tpu.memory_space<vmem>>
        %dma_start3A_50 = arith.constant 0 : i32
        %dma_start3A_51 = arith.constant 0 : i32
        %dma_start3A_52 = tpu.memref_slice %arg2[%dma_start3A_50, %dma_start3A_51] : memref<10240x64xf32, #tpu.memory_space<hbm>> -> memref<10240x64xf32, #tpu.memory_space<hbm>>
        tpu.enqueue_indirect_dma source(%dma_start3A_52 : memref<10240x64xf32, #tpu.memory_space<hbm>>) target(%arg14 : memref<128x64xf32, #tpu.memory_space<vmem>>) offsets(%dma_start3A_49 : memref<128xi32, #tpu.memory_space<vmem>>) semaphore(%arg16 : memref<!tpu.dma_semaphore, #tpu.memory_space<semaphore_mem>>)
        %dma_wait3A_53 = arith.constant 0 : i32
        %dma_wait3A_54 = arith.constant 0 : i32
        %dma_wait3A_55 = tpu.memref_slice %arg2[%dma_wait3A_53, %dma_wait3A_54] : memref<10240x64xf32, #tpu.memory_space<hbm>> -> memref<128x64xf32, #tpu.memory_space<hbm>>
        %dma_wait3A_56 = arith.constant 0 : i32
        %dma_wait3A_57 = arith.constant 0 : i32
        %dma_wait3A_58 = tpu.memref_slice %arg2[%dma_wait3A_56, %dma_wait3A_57] : memref<10240x64xf32, #tpu.memory_space<hbm>> -> memref<128x64xf32, #tpu.memory_space<hbm>>
        tpu.wait_dma2 semaphore(%arg15 : memref<!tpu.dma_semaphore, #tpu.memory_space<semaphore_mem>>) src(%dma_wait3A_58 : memref<128x64xf32, #tpu.memory_space<hbm>>) dst(%arg13 : memref<128x64xf32, #tpu.memory_space<vmem>>)
        %mul3A_59 = arith.constant 2 : i32
        %mul3A_60 = arith.muli %mul3A_59, %scan3A_44 : i32
        "tpu.region"() ({
          %run_scoped3A = tpu.sem_alloc : memref<!tpu.dma_semaphore, #tpu.memory_space<semaphore_mem>>
          %dma_start3A_81 = arith.constant 0 : i32
          %dma_start3A_82 = tpu.memref_slice %arg12[%mul3A_60, %dma_start3A_81] : memref<158x128xi32, #tpu.memory_space<vmem>> -> memref<1x128xi32, #tpu.memory_space<vmem>>
          %dma_start3A_83 = tpu.memref_squeeze %dma_start3A_82 : memref<1x128xi32, #tpu.memory_space<vmem>> -> memref<128xi32, #tpu.memory_space<vmem>>
          %dma_start3A_84 = arith.constant 0 : i32
          %dma_start3A_85 = arith.constant 0 : i32
          %dma_start3A_86 = tpu.memref_slice %arg10[%dma_start3A_84, %dma_start3A_85] : memref<10240x64xf32, #tpu.memory_space<vmem_shared>> -> memref<10240x64xf32, #tpu.memory_space<vmem_shared>>
          tpu.enqueue_indirect_dma source(%arg13 : memref<128x64xf32, #tpu.memory_space<vmem>>) target(%dma_start3A_86 : memref<10240x64xf32, #tpu.memory_space<vmem_shared>>) offsets(%dma_start3A_83 : memref<128xi32, #tpu.memory_space<vmem>>) semaphore(%run_scoped3A : memref<!tpu.dma_semaphore, #tpu.memory_space<semaphore_mem>>) {add = true}
          %dma_wait3A_87 = arith.constant 0 : i32
          %dma_wait3A_88 = tpu.memref_slice %arg12[%mul3A_60, %dma_wait3A_87] : memref<158x128xi32, #tpu.memory_space<vmem>> -> memref<1x128xi32, #tpu.memory_space<vmem>>
          %dma_wait3A_89 = tpu.memref_squeeze %dma_wait3A_88 : memref<1x128xi32, #tpu.memory_space<vmem>> -> memref<128xi32, #tpu.memory_space<vmem>>
          %dma_wait3A_90 = arith.constant 0 : i32
          %dma_wait3A_91 = arith.constant 0 : i32
          %dma_wait3A_92 = tpu.memref_slice %arg10[%dma_wait3A_90, %dma_wait3A_91] : memref<10240x64xf32, #tpu.memory_space<vmem_shared>> -> memref<10240x64xf32, #tpu.memory_space<vmem_shared>>
          tpu.wait_indirect_dma semaphore(%run_scoped3A : memref<!tpu.dma_semaphore, #tpu.memory_space<semaphore_mem>>) src(%arg13 : memref<128x64xf32, #tpu.memory_space<vmem>>) dst(%dma_wait3A_92 : memref<10240x64xf32, #tpu.memory_space<vmem_shared>>)
          tpu.yield
        }) : () -> ()
        %mul3A_61 = arith.constant 2 : i32
        %mul3A_62 = arith.muli %mul3A_61, %scan3A_44 : i32
        %add3A_63 = arith.constant 2 : i32
        %add3A_64 = arith.addi %mul3A_62, %add3A_63 : i32
        %dma_start3A_65 = arith.constant 0 : i32
        %dma_start3A_66 = tpu.memref_slice %arg11[%add3A_64, %dma_start3A_65] : memref<160x128xi32, #tpu.memory_space<vmem>> -> memref<1x128xi32, #tpu.memory_space<vmem>>
        %dma_start3A_67 = tpu.memref_squeeze %dma_start3A_66 : memref<1x128xi32, #tpu.memory_space<vmem>> -> memref<128xi32, #tpu.memory_space<vmem>>
        %dma_start3A_68 = arith.constant 0 : i32
        %dma_start3A_69 = arith.constant 0 : i32
        %dma_start3A_70 = tpu.memref_slice %arg2[%dma_start3A_68, %dma_start3A_69] : memref<10240x64xf32, #tpu.memory_space<hbm>> -> memref<10240x64xf32, #tpu.memory_space<hbm>>
        tpu.enqueue_indirect_dma source(%dma_start3A_70 : memref<10240x64xf32, #tpu.memory_space<hbm>>) target(%arg13 : memref<128x64xf32, #tpu.memory_space<vmem>>) offsets(%dma_start3A_67 : memref<128xi32, #tpu.memory_space<vmem>>) semaphore(%arg15 : memref<!tpu.dma_semaphore, #tpu.memory_space<semaphore_mem>>)
        %dma_wait3A_71 = arith.constant 0 : i32
        %dma_wait3A_72 = arith.constant 0 : i32
        %dma_wait3A_73 = tpu.memref_slice %arg2[%dma_wait3A_71, %dma_wait3A_72] : memref<10240x64xf32, #tpu.memory_space<hbm>> -> memref<128x64xf32, #tpu.memory_space<hbm>>
        %dma_wait3A_74 = arith.constant 0 : i32
        %dma_wait3A_75 = arith.constant 0 : i32
        %dma_wait3A_76 = tpu.memref_slice %arg2[%dma_wait3A_74, %dma_wait3A_75] : memref<10240x64xf32, #tpu.memory_space<hbm>> -> memref<128x64xf32, #tpu.memory_space<hbm>>
        tpu.wait_dma2 semaphore(%arg16 : memref<!tpu.dma_semaphore, #tpu.memory_space<semaphore_mem>>) src(%dma_wait3A_76 : memref<128x64xf32, #tpu.memory_space<hbm>>) dst(%arg14 : memref<128x64xf32, #tpu.memory_space<vmem>>)
        %mul3A_77 = arith.constant 2 : i32
        %mul3A_78 = arith.muli %mul3A_77, %scan3A_44 : i32
        %add3A_79 = arith.constant 1 : i32
        %add3A_80 = arith.addi %mul3A_78, %add3A_79 : i32
        "tpu.region"() ({
          %run_scoped3A = tpu.sem_alloc : memref<!tpu.dma_semaphore, #tpu.memory_space<semaphore_mem>>
          %dma_start3A_81 = arith.constant 0 : i32
          %dma_start3A_82 = tpu.memref_slice %arg12[%add3A_80, %dma_start3A_81] : memref<158x128xi32, #tpu.memory_space<vmem>> -> memref<1x128xi32, #tpu.memory_space<vmem>>
          %dma_start3A_83 = tpu.memref_squeeze %dma_start3A_82 : memref<1x128xi32, #tpu.memory_space<vmem>> -> memref<128xi32, #tpu.memory_space<vmem>>
          %dma_start3A_84 = arith.constant 0 : i32
          %dma_start3A_85 = arith.constant 0 : i32
          %dma_start3A_86 = tpu.memref_slice %arg10[%dma_start3A_84, %dma_start3A_85] : memref<10240x64xf32, #tpu.memory_space<vmem_shared>> -> memref<10240x64xf32, #tpu.memory_space<vmem_shared>>
          tpu.enqueue_indirect_dma source(%arg14 : memref<128x64xf32, #tpu.memory_space<vmem>>) target(%dma_start3A_86 : memref<10240x64xf32, #tpu.memory_space<vmem_shared>>) offsets(%dma_start3A_83 : memref<128xi32, #tpu.memory_space<vmem>>) semaphore(%run_scoped3A : memref<!tpu.dma_semaphore, #tpu.memory_space<semaphore_mem>>) {add = true}
          %dma_wait3A_87 = arith.constant 0 : i32
          %dma_wait3A_88 = tpu.memref_slice %arg12[%add3A_80, %dma_wait3A_87] : memref<158x128xi32, #tpu.memory_space<vmem>> -> memref<1x128xi32, #tpu.memory_space<vmem>>
          %dma_wait3A_89 = tpu.memref_squeeze %dma_wait3A_88 : memref<1x128xi32, #tpu.memory_space<vmem>> -> memref<128xi32, #tpu.memory_space<vmem>>
          %dma_wait3A_90 = arith.constant 0 : i32
          %dma_wait3A_91 = arith.constant 0 : i32
          %dma_wait3A_92 = tpu.memref_slice %arg10[%dma_wait3A_90, %dma_wait3A_91] : memref<10240x64xf32, #tpu.memory_space<vmem_shared>> -> memref<10240x64xf32, #tpu.memory_space<vmem_shared>>
          tpu.wait_indirect_dma semaphore(%run_scoped3A : memref<!tpu.dma_semaphore, #tpu.memory_space<semaphore_mem>>) src(%arg14 : memref<128x64xf32, #tpu.memory_space<vmem>>) dst(%dma_wait3A_92 : memref<10240x64xf32, #tpu.memory_space<vmem_shared>>)
          tpu.yield
        }) : () -> ()
      }
      %scan3A_38 = arith.constant 79 : i32
      %dma_wait3A = arith.constant 0 : i32
      %dma_wait3A_39 = arith.constant 0 : i32
      %dma_wait3A_40 = tpu.memref_slice %arg2[%dma_wait3A, %dma_wait3A_39] : memref<10240x64xf32, #tpu.memory_space<hbm>> -> memref<128x64xf32, #tpu.memory_space<hbm>>
      %dma_wait3A_41 = arith.constant 0 : i32
      %dma_wait3A_42 = arith.constant 0 : i32
      %dma_wait3A_43 = tpu.memref_slice %arg2[%dma_wait3A_41, %dma_wait3A_42] : memref<10240x64xf32, #tpu.memory_space<hbm>> -> memref<128x64xf32, #tpu.memory_space<hbm>>
      tpu.wait_dma2 semaphore(%arg15 : memref<!tpu.dma_semaphore, #tpu.memory_space<semaphore_mem>>) src(%dma_wait3A_43 : memref<128x64xf32, #tpu.memory_space<hbm>>) dst(%arg13 : memref<128x64xf32, #tpu.memory_space<vmem>>)
    } else {
    }
    %eq3A_12 = arith.constant 1 : i32
    %eq3A_13 = arith.cmpi eq, %arg0, %eq3A_12 : i32
    %convert_element_type3A_14 = arith.extui %eq3A_13 : i1 to i32
    %cond3A_15 = arith.constant 0 : i32
    %cond3A_16 = arith.cmpi ne, %convert_element_type3A_14, %cond3A_15 : i32
    scf.if %cond3A_16 {
      %dma_start3A = arith.constant 0 : i32
      %dma_start3A_28 = arith.constant 0 : i32
      %dma_start3A_29 = tpu.memref_slice %arg11[%dma_start3A, %dma_start3A_28] : memref<160x128xi32, #tpu.memory_space<vmem>> -> memref<1x128xi32, #tpu.memory_space<vmem>>
      %dma_start3A_30 = tpu.memref_squeeze %dma_start3A_29 : memref<1x128xi32, #tpu.memory_space<vmem>> -> memref<128xi32, #tpu.memory_space<vmem>>
      %dma_start3A_31 = arith.constant 0 : i32
      %dma_start3A_32 = arith.constant 0 : i32
      %dma_start3A_33 = tpu.memref_slice %arg3[%dma_start3A_31, %dma_start3A_32] : memref<10240x64xf32, #tpu.memory_space<hbm>> -> memref<10240x64xf32, #tpu.memory_space<hbm>>
      tpu.enqueue_indirect_dma source(%dma_start3A_33 : memref<10240x64xf32, #tpu.memory_space<hbm>>) target(%arg13 : memref<128x64xf32, #tpu.memory_space<vmem>>) offsets(%dma_start3A_30 : memref<128xi32, #tpu.memory_space<vmem>>) semaphore(%arg15 : memref<!tpu.dma_semaphore, #tpu.memory_space<semaphore_mem>>)
      %scan3A = arith.constant 0 : i32
      %scan3A_34 = arith.constant 0 : i32
      %scan3A_35 = arith.constant 79 : i32
      %scan3A_36 = arith.addi %scan3A_34, %scan3A_35 : i32
      %scan3A_37 = arith.constant 1 : i32
      scf.for %scan3A_44 = %scan3A_34 to %scan3A_36 step %scan3A_37  : i32 {
        %mul3A = arith.constant 2 : i32
        %mul3A_45 = arith.muli %mul3A, %scan3A_44 : i32
        %add3A = arith.constant 1 : i32
        %add3A_46 = arith.addi %mul3A_45, %add3A : i32
        %dma_start3A_47 = arith.constant 0 : i32
        %dma_start3A_48 = tpu.memref_slice %arg11[%add3A_46, %dma_start3A_47] : memref<160x128xi32, #tpu.memory_space<vmem>> -> memref<1x128xi32, #tpu.memory_space<vmem>>
        %dma_start3A_49 = tpu.memref_squeeze %dma_start3A_48 : memref<1x128xi32, #tpu.memory_space<vmem>> -> memref<128xi32, #tpu.memory_space<vmem>>
        %dma_start3A_50 = arith.constant 0 : i32
        %dma_start3A_51 = arith.constant 0 : i32
        %dma_start3A_52 = tpu.memref_slice %arg3[%dma_start3A_50, %dma_start3A_51] : memref<10240x64xf32, #tpu.memory_space<hbm>> -> memref<10240x64xf32, #tpu.memory_space<hbm>>
        tpu.enqueue_indirect_dma source(%dma_start3A_52 : memref<10240x64xf32, #tpu.memory_space<hbm>>) target(%arg14 : memref<128x64xf32, #tpu.memory_space<vmem>>) offsets(%dma_start3A_49 : memref<128xi32, #tpu.memory_space<vmem>>) semaphore(%arg16 : memref<!tpu.dma_semaphore, #tpu.memory_space<semaphore_mem>>)
        %dma_wait3A_53 = arith.constant 0 : i32
        %dma_wait3A_54 = arith.constant 0 : i32
        %dma_wait3A_55 = tpu.memref_slice %arg3[%dma_wait3A_53, %dma_wait3A_54] : memref<10240x64xf32, #tpu.memory_space<hbm>> -> memref<128x64xf32, #tpu.memory_space<hbm>>
        %dma_wait3A_56 = arith.constant 0 : i32
        %dma_wait3A_57 = arith.constant 0 : i32
        %dma_wait3A_58 = tpu.memref_slice %arg3[%dma_wait3A_56, %dma_wait3A_57] : memref<10240x64xf32, #tpu.memory_space<hbm>> -> memref<128x64xf32, #tpu.memory_space<hbm>>
        tpu.wait_dma2 semaphore(%arg15 : memref<!tpu.dma_semaphore, #tpu.memory_space<semaphore_mem>>) src(%dma_wait3A_58 : memref<128x64xf32, #tpu.memory_space<hbm>>) dst(%arg13 : memref<128x64xf32, #tpu.memory_space<vmem>>)
        %mul3A_59 = arith.constant 2 : i32
        %mul3A_60 = arith.muli %mul3A_59, %scan3A_44 : i32
        "tpu.region"() ({
          %run_scoped3A = tpu.sem_alloc : memref<!tpu.dma_semaphore, #tpu.memory_space<semaphore_mem>>
          %dma_start3A_81 = arith.constant 0 : i32
          %dma_start3A_82 = tpu.memref_slice %arg12[%mul3A_60, %dma_start3A_81] : memref<158x128xi32, #tpu.memory_space<vmem>> -> memref<1x128xi32, #tpu.memory_space<vmem>>
          %dma_start3A_83 = tpu.memref_squeeze %dma_start3A_82 : memref<1x128xi32, #tpu.memory_space<vmem>> -> memref<128xi32, #tpu.memory_space<vmem>>
          %dma_start3A_84 = arith.constant 0 : i32
          %dma_start3A_85 = arith.constant 0 : i32
          %dma_start3A_86 = tpu.memref_slice %arg10[%dma_start3A_84, %dma_start3A_85] : memref<10240x64xf32, #tpu.memory_space<vmem_shared>> -> memref<10240x64xf32, #tpu.memory_space<vmem_shared>>
          tpu.enqueue_indirect_dma source(%arg13 : memref<128x64xf32, #tpu.memory_space<vmem>>) target(%dma_start3A_86 : memref<10240x64xf32, #tpu.memory_space<vmem_shared>>) offsets(%dma_start3A_83 : memref<128xi32, #tpu.memory_space<vmem>>) semaphore(%run_scoped3A : memref<!tpu.dma_semaphore, #tpu.memory_space<semaphore_mem>>) {add = true}
          %dma_wait3A_87 = arith.constant 0 : i32
          %dma_wait3A_88 = tpu.memref_slice %arg12[%mul3A_60, %dma_wait3A_87] : memref<158x128xi32, #tpu.memory_space<vmem>> -> memref<1x128xi32, #tpu.memory_space<vmem>>
          %dma_wait3A_89 = tpu.memref_squeeze %dma_wait3A_88 : memref<1x128xi32, #tpu.memory_space<vmem>> -> memref<128xi32, #tpu.memory_space<vmem>>
          %dma_wait3A_90 = arith.constant 0 : i32
          %dma_wait3A_91 = arith.constant 0 : i32
          %dma_wait3A_92 = tpu.memref_slice %arg10[%dma_wait3A_90, %dma_wait3A_91] : memref<10240x64xf32, #tpu.memory_space<vmem_shared>> -> memref<10240x64xf32, #tpu.memory_space<vmem_shared>>
          tpu.wait_indirect_dma semaphore(%run_scoped3A : memref<!tpu.dma_semaphore, #tpu.memory_space<semaphore_mem>>) src(%arg13 : memref<128x64xf32, #tpu.memory_space<vmem>>) dst(%dma_wait3A_92 : memref<10240x64xf32, #tpu.memory_space<vmem_shared>>)
          tpu.yield
        }) : () -> ()
        %mul3A_61 = arith.constant 2 : i32
        %mul3A_62 = arith.muli %mul3A_61, %scan3A_44 : i32
        %add3A_63 = arith.constant 2 : i32
        %add3A_64 = arith.addi %mul3A_62, %add3A_63 : i32
        %dma_start3A_65 = arith.constant 0 : i32
        %dma_start3A_66 = tpu.memref_slice %arg11[%add3A_64, %dma_start3A_65] : memref<160x128xi32, #tpu.memory_space<vmem>> -> memref<1x128xi32, #tpu.memory_space<vmem>>
        %dma_start3A_67 = tpu.memref_squeeze %dma_start3A_66 : memref<1x128xi32, #tpu.memory_space<vmem>> -> memref<128xi32, #tpu.memory_space<vmem>>
        %dma_start3A_68 = arith.constant 0 : i32
        %dma_start3A_69 = arith.constant 0 : i32
        %dma_start3A_70 = tpu.memref_slice %arg3[%dma_start3A_68, %dma_start3A_69] : memref<10240x64xf32, #tpu.memory_space<hbm>> -> memref<10240x64xf32, #tpu.memory_space<hbm>>
        tpu.enqueue_indirect_dma source(%dma_start3A_70 : memref<10240x64xf32, #tpu.memory_space<hbm>>) target(%arg13 : memref<128x64xf32, #tpu.memory_space<vmem>>) offsets(%dma_start3A_67 : memref<128xi32, #tpu.memory_space<vmem>>) semaphore(%arg15 : memref<!tpu.dma_semaphore, #tpu.memory_space<semaphore_mem>>)
        %dma_wait3A_71 = arith.constant 0 : i32
        %dma_wait3A_72 = arith.constant 0 : i32
        %dma_wait3A_73 = tpu.memref_slice %arg3[%dma_wait3A_71, %dma_wait3A_72] : memref<10240x64xf32, #tpu.memory_space<hbm>> -> memref<128x64xf32, #tpu.memory_space<hbm>>
        %dma_wait3A_74 = arith.constant 0 : i32
        %dma_wait3A_75 = arith.constant 0 : i32
        %dma_wait3A_76 = tpu.memref_slice %arg3[%dma_wait3A_74, %dma_wait3A_75] : memref<10240x64xf32, #tpu.memory_space<hbm>> -> memref<128x64xf32, #tpu.memory_space<hbm>>
        tpu.wait_dma2 semaphore(%arg16 : memref<!tpu.dma_semaphore, #tpu.memory_space<semaphore_mem>>) src(%dma_wait3A_76 : memref<128x64xf32, #tpu.memory_space<hbm>>) dst(%arg14 : memref<128x64xf32, #tpu.memory_space<vmem>>)
        %mul3A_77 = arith.constant 2 : i32
        %mul3A_78 = arith.muli %mul3A_77, %scan3A_44 : i32
        %add3A_79 = arith.constant 1 : i32
        %add3A_80 = arith.addi %mul3A_78, %add3A_79 : i32
        "tpu.region"() ({
          %run_scoped3A = tpu.sem_alloc : memref<!tpu.dma_semaphore, #tpu.memory_space<semaphore_mem>>
          %dma_start3A_81 = arith.constant 0 : i32
          %dma_start3A_82 = tpu.memref_slice %arg12[%add3A_80, %dma_start3A_81] : memref<158x128xi32, #tpu.memory_space<vmem>> -> memref<1x128xi32, #tpu.memory_space<vmem>>
          %dma_start3A_83 = tpu.memref_squeeze %dma_start3A_82 : memref<1x128xi32, #tpu.memory_space<vmem>> -> memref<128xi32, #tpu.memory_space<vmem>>
          %dma_start3A_84 = arith.constant 0 : i32
          %dma_start3A_85 = arith.constant 0 : i32
          %dma_start3A_86 = tpu.memref_slice %arg10[%dma_start3A_84, %dma_start3A_85] : memref<10240x64xf32, #tpu.memory_space<vmem_shared>> -> memref<10240x64xf32, #tpu.memory_space<vmem_shared>>
          tpu.enqueue_indirect_dma source(%arg14 : memref<128x64xf32, #tpu.memory_space<vmem>>) target(%dma_start3A_86 : memref<10240x64xf32, #tpu.memory_space<vmem_shared>>) offsets(%dma_start3A_83 : memref<128xi32, #tpu.memory_space<vmem>>) semaphore(%run_scoped3A : memref<!tpu.dma_semaphore, #tpu.memory_space<semaphore_mem>>) {add = true}
          %dma_wait3A_87 = arith.constant 0 : i32
          %dma_wait3A_88 = tpu.memref_slice %arg12[%add3A_80, %dma_wait3A_87] : memref<158x128xi32, #tpu.memory_space<vmem>> -> memref<1x128xi32, #tpu.memory_space<vmem>>
          %dma_wait3A_89 = tpu.memref_squeeze %dma_wait3A_88 : memref<1x128xi32, #tpu.memory_space<vmem>> -> memref<128xi32, #tpu.memory_space<vmem>>
          %dma_wait3A_90 = arith.constant 0 : i32
          %dma_wait3A_91 = arith.constant 0 : i32
          %dma_wait3A_92 = tpu.memref_slice %arg10[%dma_wait3A_90, %dma_wait3A_91] : memref<10240x64xf32, #tpu.memory_space<vmem_shared>> -> memref<10240x64xf32, #tpu.memory_space<vmem_shared>>
          tpu.wait_indirect_dma semaphore(%run_scoped3A : memref<!tpu.dma_semaphore, #tpu.memory_space<semaphore_mem>>) src(%arg14 : memref<128x64xf32, #tpu.memory_space<vmem>>) dst(%dma_wait3A_92 : memref<10240x64xf32, #tpu.memory_space<vmem_shared>>)
          tpu.yield
        }) : () -> ()
      }
      %scan3A_38 = arith.constant 79 : i32
      %dma_wait3A = arith.constant 0 : i32
      %dma_wait3A_39 = arith.constant 0 : i32
      %dma_wait3A_40 = tpu.memref_slice %arg3[%dma_wait3A, %dma_wait3A_39] : memref<10240x64xf32, #tpu.memory_space<hbm>> -> memref<128x64xf32, #tpu.memory_space<hbm>>
      %dma_wait3A_41 = arith.constant 0 : i32
      %dma_wait3A_42 = arith.constant 0 : i32
      %dma_wait3A_43 = tpu.memref_slice %arg3[%dma_wait3A_41, %dma_wait3A_42] : memref<10240x64xf32, #tpu.memory_space<hbm>> -> memref<128x64xf32, #tpu.memory_space<hbm>>
      tpu.wait_dma2 semaphore(%arg15 : memref<!tpu.dma_semaphore, #tpu.memory_space<semaphore_mem>>) src(%dma_wait3A_43 : memref<128x64xf32, #tpu.memory_space<hbm>>) dst(%arg13 : memref<128x64xf32, #tpu.memory_space<vmem>>)
    } else {
    }
    %barrier3A_17 = arith.constant 0 : index
    tpu.barrier barrier_id(%barrier3A_17)
    %eq3A_18 = arith.constant 0 : i32
    %eq3A_19 = arith.cmpi eq, %arg0, %eq3A_18 : i32
    %convert_element_type3A_20 = arith.extui %eq3A_19 : i1 to i32
    %cond3A_21 = arith.constant 0 : i32
    %cond3A_22 = arith.cmpi ne, %convert_element_type3A_20, %cond3A_21 : i32
    scf.if %cond3A_22 {
      %mul3A = arith.constant 640 : i32
      %mul3A_28 = arith.muli %arg1, %mul3A : i32
      %mul3A_29 = arith.constant 640 : i32
      %mul3A_30 = arith.muli %arg1, %mul3A_29 : i32
      "tpu.region"() ({
        %run_scoped3A = tpu.sem_alloc : memref<!tpu.dma_semaphore, #tpu.memory_space<semaphore_mem>>
        %dma_start3A = arith.constant 0 : i32
        %dma_start3A_31 = tpu.memref_slice %arg8[%mul3A_30, %dma_start3A] : memref<10240x64xf32, #tpu.memory_space<hbm>> -> memref<640x64xf32, #tpu.memory_space<hbm>>
        %dma_start3A_32 = arith.constant 0 : i32
        %dma_start3A_33 = tpu.memref_slice %arg10[%mul3A_28, %dma_start3A_32] : memref<10240x64xf32, #tpu.memory_space<vmem_shared>> -> memref<640x64xf32, #tpu.memory_space<vmem_shared>>
        tpu.enqueue_dma source(%dma_start3A_33 : memref<640x64xf32, #tpu.memory_space<vmem_shared>>) target(%dma_start3A_31 : memref<640x64xf32, #tpu.memory_space<hbm>>) target_semaphore(%run_scoped3A : memref<!tpu.dma_semaphore, #tpu.memory_space<semaphore_mem>>)
        %dma_wait3A = arith.constant 0 : i32
        %dma_wait3A_34 = tpu.memref_slice %arg8[%mul3A_30, %dma_wait3A] : memref<10240x64xf32, #tpu.memory_space<hbm>> -> memref<640x64xf32, #tpu.memory_space<hbm>>
        %dma_wait3A_35 = arith.constant 0 : i32
        %dma_wait3A_36 = tpu.memref_slice %arg10[%mul3A_28, %dma_wait3A_35] : memref<10240x64xf32, #tpu.memory_space<vmem_shared>> -> memref<640x64xf32, #tpu.memory_space<vmem_shared>>
        tpu.wait_dma2 semaphore(%run_scoped3A : memref<!tpu.dma_semaphore, #tpu.memory_space<semaphore_mem>>) src(%dma_wait3A_36 : memref<640x64xf32, #tpu.memory_space<vmem_shared>>) dst(%dma_wait3A_34 : memref<640x64xf32, #tpu.memory_space<hbm>>)
        tpu.yield
      }) : () -> ()
    } else {
    }
    %eq3A_23 = arith.constant 1 : i32
    %eq3A_24 = arith.cmpi eq, %arg0, %eq3A_23 : i32
    %convert_element_type3A_25 = arith.extui %eq3A_24 : i1 to i32
    %cond3A_26 = arith.constant 0 : i32
    %cond3A_27 = arith.cmpi ne, %convert_element_type3A_25, %cond3A_26 : i32
    scf.if %cond3A_27 {
      %mul3A = arith.constant 640 : i32
      %mul3A_28 = arith.muli %arg1, %mul3A : i32
      %mul3A_29 = arith.constant 640 : i32
      %mul3A_30 = arith.muli %arg1, %mul3A_29 : i32
      "tpu.region"() ({
        %run_scoped3A = tpu.sem_alloc : memref<!tpu.dma_semaphore, #tpu.memory_space<semaphore_mem>>
        %dma_start3A = arith.constant 0 : i32
        %dma_start3A_31 = tpu.memref_slice %arg9[%mul3A_30, %dma_start3A] : memref<10240x64xf32, #tpu.memory_space<hbm>> -> memref<640x64xf32, #tpu.memory_space<hbm>>
        %dma_start3A_32 = arith.constant 0 : i32
        %dma_start3A_33 = tpu.memref_slice %arg10[%mul3A_28, %dma_start3A_32] : memref<10240x64xf32, #tpu.memory_space<vmem_shared>> -> memref<640x64xf32, #tpu.memory_space<vmem_shared>>
        tpu.enqueue_dma source(%dma_start3A_33 : memref<640x64xf32, #tpu.memory_space<vmem_shared>>) target(%dma_start3A_31 : memref<640x64xf32, #tpu.memory_space<hbm>>) target_semaphore(%run_scoped3A : memref<!tpu.dma_semaphore, #tpu.memory_space<semaphore_mem>>)
        %dma_wait3A = arith.constant 0 : i32
        %dma_wait3A_34 = tpu.memref_slice %arg9[%mul3A_30, %dma_wait3A] : memref<10240x64xf32, #tpu.memory_space<hbm>> -> memref<640x64xf32, #tpu.memory_space<hbm>>
        %dma_wait3A_35 = arith.constant 0 : i32
        %dma_wait3A_36 = tpu.memref_slice %arg10[%mul3A_28, %dma_wait3A_35] : memref<10240x64xf32, #tpu.memory_space<vmem_shared>> -> memref<640x64xf32, #tpu.memory_space<vmem_shared>>
        tpu.wait_dma2 semaphore(%run_scoped3A : memref<!tpu.dma_semaphore, #tpu.memory_space<semaphore_mem>>) src(%dma_wait3A_36 : memref<640x64xf32, #tpu.memory_space<vmem_shared>>) dst(%dma_wait3A_34 : memref<640x64xf32, #tpu.memory_space<hbm>>)
        tpu.yield
      }) : () -> ()
    } else {
    }
    return
  }
}

module attributes {stable_mosaic.version = 14 : i64} {
  func.func @_tc_scale_body(%arg0: memref<10240x8xf32, #tpu.memory_space<vmem>>, %arg1: memref<10000x128xf32, #tpu.memory_space<vmem>>, %arg2: memref<128x64xf32, #tpu.memory_space<vmem>>, %arg3: memref<10240x8xf32, #tpu.memory_space<vmem>>, %arg4: memref<10000x128xf32, #tpu.memory_space<vmem>>, %arg5: memref<128x64xf32, #tpu.memory_space<vmem>>, %arg6: memref<10240x64xf32, #tpu.memory_space<vmem>>, %arg7: memref<10240x1xf32, #tpu.memory_space<vmem>>, %arg8: memref<10240x64xf32, #tpu.memory_space<vmem>>, %arg9: memref<10240x1xf32, #tpu.memory_space<vmem>>) attributes {dimension_semantics = [], scalar_prefetch = 0 : i64, scratch_operands = 0 : i64, tpu.core_type = #tpu.core_type<tc>} {
    %get3A = arith.constant 0 : index
    %get3A_0 = arith.constant 0 : index
    %get3A_1 = vector.load %arg0[%get3A, %get3A_0] : memref<10240x8xf32, #tpu.memory_space<vmem>>, vector<10240x1xf32>
    %add3A = arith.constant 1.000000e+00 : f32
    %add3A_2 = vector.broadcast %add3A : f32 to vector<10240x1xf32>
    %add3A_3 = arith.addf %get3A_1, %add3A_2 : vector<10240x1xf32>
    %rsqrt3A = math.rsqrt %add3A_3 : vector<10240x1xf32>
    %swap3A = arith.constant 0 : index
    %swap3A_4 = arith.constant 0 : index
    %swap3A_5 = vector.load %arg7[%swap3A, %swap3A_4] : memref<10240x1xf32, #tpu.memory_space<vmem>>, vector<10240x1xf32>
    tpu.vector_store %arg7[%swap3A, %swap3A_4], %rsqrt3A {strides = array<i32>} : memref<10240x1xf32, #tpu.memory_space<vmem>>, vector<10240x1xf32>,
    %get3A_6 = arith.constant 0 : index
    %get3A_7 = arith.constant 0 : index
    %get3A_8 = vector.load %arg1[%get3A_6, %get3A_7] : memref<10000x128xf32, #tpu.memory_space<vmem>>, vector<10000x128xf32>
    %get3A_9 = arith.constant 0 : index
    %get3A_10 = arith.constant 0 : index
    %get3A_11 = vector.load %arg2[%get3A_9, %get3A_10] : memref<128x64xf32, #tpu.memory_space<vmem>>, vector<128x64xf32>
    %dot_general3A = arith.constant dense<0.000000e+00> : vector<10000x64xf32>
    %dot_general3A_12 = tpu.matmul %get3A_8, %get3A_11, %dot_general3A {dimension_numbers = #tpu.dot_dimension_numbers<[1], [0], [0], [1], [0, 0, 1, 1], [], []>, transpose_lhs_hint = false} : vector<10000x128xf32>, vector<128x64xf32>, vector<10000x64xf32> -> vector<10000x64xf32>
    %slice3A = vector.extract_strided_slice %rsqrt3A {offsets = [0, 0], sizes = [10000, 1], strides = [1, 1]} : vector<10240x1xf32> to vector<10000x1xf32>
    %mul3A = vector.broadcast %slice3A : vector<10000x1xf32> to vector<10000x64xf32>
    %mul3A_13 = arith.mulf %dot_general3A_12, %mul3A : vector<10000x64xf32>
    %swap3A_14 = arith.constant 0 : index
    %swap3A_15 = arith.constant 0 : index
    %swap3A_16 = vector.load %arg6[%swap3A_14, %swap3A_15] : memref<10240x64xf32, #tpu.memory_space<vmem>>, vector<10000x64xf32>
    tpu.vector_store %arg6[%swap3A_14, %swap3A_15], %mul3A_13 {strides = array<i32>} : memref<10240x64xf32, #tpu.memory_space<vmem>>, vector<10000x64xf32>,
    %broadcast_in_dim3A = arith.constant 0.000000e+00 : f32
    %broadcast_in_dim3A_17 = vector.broadcast %broadcast_in_dim3A : f32 to vector<240x64xf32>
    %swap3A_18 = arith.constant 10000 : index
    %swap3A_19 = arith.constant 0 : index
    %swap3A_20 = vector.load %arg6[%swap3A_18, %swap3A_19] : memref<10240x64xf32, #tpu.memory_space<vmem>>, vector<240x64xf32>
    tpu.vector_store %arg6[%swap3A_18, %swap3A_19], %broadcast_in_dim3A_17 {strides = array<i32>} : memref<10240x64xf32, #tpu.memory_space<vmem>>, vector<240x64xf32>,
    %get3A_21 = arith.constant 0 : index
    %get3A_22 = arith.constant 0 : index
    %get3A_23 = vector.load %arg3[%get3A_21, %get3A_22] : memref<10240x8xf32, #tpu.memory_space<vmem>>, vector<10240x1xf32>
    %add3A_24 = arith.constant 1.000000e+00 : f32
    %add3A_25 = vector.broadcast %add3A_24 : f32 to vector<10240x1xf32>
    %add3A_26 = arith.addf %get3A_23, %add3A_25 : vector<10240x1xf32>
    %rsqrt3A_27 = math.rsqrt %add3A_26 : vector<10240x1xf32>
    %swap3A_28 = arith.constant 0 : index
    %swap3A_29 = arith.constant 0 : index
    %swap3A_30 = vector.load %arg9[%swap3A_28, %swap3A_29] : memref<10240x1xf32, #tpu.memory_space<vmem>>, vector<10240x1xf32>
    tpu.vector_store %arg9[%swap3A_28, %swap3A_29], %rsqrt3A_27 {strides = array<i32>} : memref<10240x1xf32, #tpu.memory_space<vmem>>, vector<10240x1xf32>,
    %get3A_31 = arith.constant 0 : index
    %get3A_32 = arith.constant 0 : index
    %get3A_33 = vector.load %arg4[%get3A_31, %get3A_32] : memref<10000x128xf32, #tpu.memory_space<vmem>>, vector<10000x128xf32>
    %get3A_34 = arith.constant 0 : index
    %get3A_35 = arith.constant 0 : index
    %get3A_36 = vector.load %arg5[%get3A_34, %get3A_35] : memref<128x64xf32, #tpu.memory_space<vmem>>, vector<128x64xf32>
    %dot_general3A_37 = arith.constant dense<0.000000e+00> : vector<10000x64xf32>
    %dot_general3A_38 = tpu.matmul %get3A_33, %get3A_36, %dot_general3A_37 {dimension_numbers = #tpu.dot_dimension_numbers<[1], [0], [0], [1], [0, 0, 1, 1], [], []>, transpose_lhs_hint = false} : vector<10000x128xf32>, vector<128x64xf32>, vector<10000x64xf32> -> vector<10000x64xf32>
    %slice3A_39 = vector.extract_strided_slice %rsqrt3A_27 {offsets = [0, 0], sizes = [10000, 1], strides = [1, 1]} : vector<10240x1xf32> to vector<10000x1xf32>
    %mul3A_40 = vector.broadcast %slice3A_39 : vector<10000x1xf32> to vector<10000x64xf32>
    %mul3A_41 = arith.mulf %dot_general3A_38, %mul3A_40 : vector<10000x64xf32>
    %swap3A_42 = arith.constant 0 : index
    %swap3A_43 = arith.constant 0 : index
    %swap3A_44 = vector.load %arg8[%swap3A_42, %swap3A_43] : memref<10240x64xf32, #tpu.memory_space<vmem>>, vector<10000x64xf32>
    tpu.vector_store %arg8[%swap3A_42, %swap3A_43], %mul3A_41 {strides = array<i32>} : memref<10240x64xf32, #tpu.memory_space<vmem>>, vector<10000x64xf32>,
    %broadcast_in_dim3A_45 = arith.constant 0.000000e+00 : f32
    %broadcast_in_dim3A_46 = vector.broadcast %broadcast_in_dim3A_45 : f32 to vector<240x64xf32>
    %swap3A_47 = arith.constant 10000 : index
    %swap3A_48 = arith.constant 0 : index
    %swap3A_49 = vector.load %arg8[%swap3A_47, %swap3A_48] : memref<10240x64xf32, #tpu.memory_space<vmem>>, vector<240x64xf32>
    tpu.vector_store %arg8[%swap3A_47, %swap3A_48], %broadcast_in_dim3A_46 {strides = array<i32>} : memref<10240x64xf32, #tpu.memory_space<vmem>>, vector<240x64xf32>,
    return
  }
}

module attributes {stable_mosaic.version = 14 : i64} {
  func.func @_tc_mid_body(%arg0: memref<10240x64xf32, #tpu.memory_space<vmem>>, %arg1: memref<10240x1xf32, #tpu.memory_space<vmem>>, %arg2: memref<1x64xf32, #tpu.memory_space<vmem>>, %arg3: memref<1x64xf32, #tpu.memory_space<vmem>>, %arg4: memref<64x64xf32, #tpu.memory_space<vmem>>, %arg5: memref<10240x64xf32, #tpu.memory_space<vmem>>, %arg6: memref<10240x1xf32, #tpu.memory_space<vmem>>, %arg7: memref<1x64xf32, #tpu.memory_space<vmem>>, %arg8: memref<1x64xf32, #tpu.memory_space<vmem>>, %arg9: memref<64x64xf32, #tpu.memory_space<vmem>>, %arg10: memref<10240x64xf32, #tpu.memory_space<vmem>>, %arg11: memref<10240x64xf32, #tpu.memory_space<vmem>>) attributes {dimension_semantics = [], scalar_prefetch = 0 : i64, scratch_operands = 0 : i64, tpu.core_type = #tpu.core_type<tc>} {
    %get3A = arith.constant 0 : index
    %get3A_0 = arith.constant 0 : index
    %get3A_1 = vector.load %arg1[%get3A, %get3A_0] : memref<10240x1xf32, #tpu.memory_space<vmem>>, vector<10240x1xf32>
    %get3A_2 = arith.constant 0 : index
    %get3A_3 = arith.constant 0 : index
    %get3A_4 = vector.load %arg0[%get3A_2, %get3A_3] : memref<10240x64xf32, #tpu.memory_space<vmem>>, vector<10240x64xf32>
    %mul3A = vector.broadcast %get3A_1 : vector<10240x1xf32> to vector<10240x64xf32>
    %mul3A_5 = arith.mulf %get3A_4, %mul3A : vector<10240x64xf32>
    %get3A_6 = arith.constant 0 : index
    %get3A_7 = arith.constant 0 : index
    %get3A_8 = vector.load %arg2[%get3A_6, %get3A_7] : memref<1x64xf32, #tpu.memory_space<vmem>>, vector<1x64xf32>
    %get3A_9 = arith.constant 0 : index
    %get3A_10 = arith.constant 0 : index
    %get3A_11 = vector.load %arg3[%get3A_9, %get3A_10] : memref<1x64xf32, #tpu.memory_space<vmem>>, vector<1x64xf32>
    %slice3A = vector.extract_strided_slice %mul3A_5 {offsets = [0, 0], sizes = [10000, 64], strides = [1, 1]} : vector<10240x64xf32> to vector<10000x64xf32>
    %reduce_sum3A = arith.constant dense<0.000000e+00> : vector<64xf32>
    %reduce_sum3A_12 = vector.multi_reduction <add>, %slice3A, %reduce_sum3A [0] : vector<10000x64xf32> to vector<64xf32>
    %broadcast_in_dim3A = vector.shape_cast %reduce_sum3A_12 : vector<64xf32> to vector<1x64xf32>
    %div3A = arith.constant 1.000000e+04 : f32
    %div3A_13 = vector.broadcast %div3A : f32 to vector<1x64xf32>
    %div3A_14 = arith.divf %broadcast_in_dim3A, %div3A_13 : vector<1x64xf32>
    %sub3A = vector.broadcast %div3A_14 : vector<1x64xf32> to vector<10000x64xf32>
    %sub3A_15 = arith.subf %slice3A, %sub3A : vector<10000x64xf32>
    %integer_pow3A = arith.mulf %sub3A_15, %sub3A_15 : vector<10000x64xf32>
    %reduce_sum3A_16 = arith.constant dense<0.000000e+00> : vector<64xf32>
    %reduce_sum3A_17 = vector.multi_reduction <add>, %integer_pow3A, %reduce_sum3A_16 [0] : vector<10000x64xf32> to vector<64xf32>
    %broadcast_in_dim3A_18 = vector.shape_cast %reduce_sum3A_17 : vector<64xf32> to vector<1x64xf32>
    %div3A_19 = arith.constant 1.000000e+04 : f32
    %div3A_20 = vector.broadcast %div3A_19 : f32 to vector<1x64xf32>
    %div3A_21 = arith.divf %broadcast_in_dim3A_18, %div3A_20 : vector<1x64xf32>
    %sub3A_22 = vector.broadcast %div3A_14 : vector<1x64xf32> to vector<10240x64xf32>
    %sub3A_23 = arith.subf %mul3A_5, %sub3A_22 : vector<10240x64xf32>
    %add3A = arith.constant 9.99999974E-6 : f32
    %add3A_24 = vector.broadcast %add3A : f32 to vector<1x64xf32>
    %add3A_25 = arith.addf %div3A_21, %add3A_24 : vector<1x64xf32>
    %rsqrt3A = math.rsqrt %add3A_25 : vector<1x64xf32>
    %mul3A_26 = vector.broadcast %rsqrt3A : vector<1x64xf32> to vector<10240x64xf32>
    %mul3A_27 = arith.mulf %sub3A_23, %mul3A_26 : vector<10240x64xf32>
    %mul3A_28 = vector.broadcast %get3A_8 : vector<1x64xf32> to vector<10240x64xf32>
    %mul3A_29 = arith.mulf %mul3A_27, %mul3A_28 : vector<10240x64xf32>
    %add3A_30 = vector.broadcast %get3A_11 : vector<1x64xf32> to vector<10240x64xf32>
    %add3A_31 = arith.addf %mul3A_29, %add3A_30 : vector<10240x64xf32>
    %max3A = arith.constant 0.000000e+00 : f32
    %max3A_32 = vector.broadcast %max3A : f32 to vector<10240x64xf32>
    %max3A_33 = arith.maximumf %add3A_31, %max3A_32 : vector<10240x64xf32>
    %get3A_34 = arith.constant 0 : index
    %get3A_35 = arith.constant 0 : index
    %get3A_36 = vector.load %arg4[%get3A_34, %get3A_35] : memref<64x64xf32, #tpu.memory_space<vmem>>, vector<64x64xf32>
    %dot_general3A = arith.constant dense<0.000000e+00> : vector<10240x64xf32>
    %dot_general3A_37 = tpu.matmul %max3A_33, %get3A_36, %dot_general3A {dimension_numbers = #tpu.dot_dimension_numbers<[1], [0], [0], [1], [0, 0, 1, 1], [], []>, transpose_lhs_hint = false} : vector<10240x64xf32>, vector<64x64xf32>, vector<10240x64xf32> -> vector<10240x64xf32>
    %mul3A_38 = vector.broadcast %get3A_1 : vector<10240x1xf32> to vector<10240x64xf32>
    %mul3A_39 = arith.mulf %dot_general3A_37, %mul3A_38 : vector<10240x64xf32>
    %swap3A = arith.constant 0 : index
    %swap3A_40 = arith.constant 0 : index
    %swap3A_41 = vector.load %arg10[%swap3A, %swap3A_40] : memref<10240x64xf32, #tpu.memory_space<vmem>>, vector<10240x64xf32>
    tpu.vector_store %arg10[%swap3A, %swap3A_40], %mul3A_39 {strides = array<i32>} : memref<10240x64xf32, #tpu.memory_space<vmem>>, vector<10240x64xf32>,
    %get3A_42 = arith.constant 0 : index
    %get3A_43 = arith.constant 0 : index
    %get3A_44 = vector.load %arg6[%get3A_42, %get3A_43] : memref<10240x1xf32, #tpu.memory_space<vmem>>, vector<10240x1xf32>
    %get3A_45 = arith.constant 0 : index
    %get3A_46 = arith.constant 0 : index
    %get3A_47 = vector.load %arg5[%get3A_45, %get3A_46] : memref<10240x64xf32, #tpu.memory_space<vmem>>, vector<10240x64xf32>
    %mul3A_48 = vector.broadcast %get3A_44 : vector<10240x1xf32> to vector<10240x64xf32>
    %mul3A_49 = arith.mulf %get3A_47, %mul3A_48 : vector<10240x64xf32>
    %get3A_50 = arith.constant 0 : index
    %get3A_51 = arith.constant 0 : index
    %get3A_52 = vector.load %arg7[%get3A_50, %get3A_51] : memref<1x64xf32, #tpu.memory_space<vmem>>, vector<1x64xf32>
    %get3A_53 = arith.constant 0 : index
    %get3A_54 = arith.constant 0 : index
    %get3A_55 = vector.load %arg8[%get3A_53, %get3A_54] : memref<1x64xf32, #tpu.memory_space<vmem>>, vector<1x64xf32>
    %slice3A_56 = vector.extract_strided_slice %mul3A_49 {offsets = [0, 0], sizes = [10000, 64], strides = [1, 1]} : vector<10240x64xf32> to vector<10000x64xf32>
    %reduce_sum3A_57 = arith.constant dense<0.000000e+00> : vector<64xf32>
    %reduce_sum3A_58 = vector.multi_reduction <add>, %slice3A_56, %reduce_sum3A_57 [0] : vector<10000x64xf32> to vector<64xf32>
    %broadcast_in_dim3A_59 = vector.shape_cast %reduce_sum3A_58 : vector<64xf32> to vector<1x64xf32>
    %div3A_60 = arith.constant 1.000000e+04 : f32
    %div3A_61 = vector.broadcast %div3A_60 : f32 to vector<1x64xf32>
    %div3A_62 = arith.divf %broadcast_in_dim3A_59, %div3A_61 : vector<1x64xf32>
    %sub3A_63 = vector.broadcast %div3A_62 : vector<1x64xf32> to vector<10000x64xf32>
    %sub3A_64 = arith.subf %slice3A_56, %sub3A_63 : vector<10000x64xf32>
    %integer_pow3A_65 = arith.mulf %sub3A_64, %sub3A_64 : vector<10000x64xf32>
    %reduce_sum3A_66 = arith.constant dense<0.000000e+00> : vector<64xf32>
    %reduce_sum3A_67 = vector.multi_reduction <add>, %integer_pow3A_65, %reduce_sum3A_66 [0] : vector<10000x64xf32> to vector<64xf32>
    %broadcast_in_dim3A_68 = vector.shape_cast %reduce_sum3A_67 : vector<64xf32> to vector<1x64xf32>
    %div3A_69 = arith.constant 1.000000e+04 : f32
    %div3A_70 = vector.broadcast %div3A_69 : f32 to vector<1x64xf32>
    %div3A_71 = arith.divf %broadcast_in_dim3A_68, %div3A_70 : vector<1x64xf32>
    %sub3A_72 = vector.broadcast %div3A_62 : vector<1x64xf32> to vector<10240x64xf32>
    %sub3A_73 = arith.subf %mul3A_49, %sub3A_72 : vector<10240x64xf32>
    %add3A_74 = arith.constant 9.99999974E-6 : f32
    %add3A_75 = vector.broadcast %add3A_74 : f32 to vector<1x64xf32>
    %add3A_76 = arith.addf %div3A_71, %add3A_75 : vector<1x64xf32>
    %rsqrt3A_77 = math.rsqrt %add3A_76 : vector<1x64xf32>
    %mul3A_78 = vector.broadcast %rsqrt3A_77 : vector<1x64xf32> to vector<10240x64xf32>
    %mul3A_79 = arith.mulf %sub3A_73, %mul3A_78 : vector<10240x64xf32>
    %mul3A_80 = vector.broadcast %get3A_52 : vector<1x64xf32> to vector<10240x64xf32>
    %mul3A_81 = arith.mulf %mul3A_79, %mul3A_80 : vector<10240x64xf32>
    %add3A_82 = vector.broadcast %get3A_55 : vector<1x64xf32> to vector<10240x64xf32>
    %add3A_83 = arith.addf %mul3A_81, %add3A_82 : vector<10240x64xf32>
    %max3A_84 = arith.constant 0.000000e+00 : f32
    %max3A_85 = vector.broadcast %max3A_84 : f32 to vector<10240x64xf32>
    %max3A_86 = arith.maximumf %add3A_83, %max3A_85 : vector<10240x64xf32>
    %get3A_87 = arith.constant 0 : index
    %get3A_88 = arith.constant 0 : index
    %get3A_89 = vector.load %arg9[%get3A_87, %get3A_88] : memref<64x64xf32, #tpu.memory_space<vmem>>, vector<64x64xf32>
    %dot_general3A_90 = arith.constant dense<0.000000e+00> : vector<10240x64xf32>
    %dot_general3A_91 = tpu.matmul %max3A_86, %get3A_89, %dot_general3A_90 {dimension_numbers = #tpu.dot_dimension_numbers<[1], [0], [0], [1], [0, 0, 1, 1], [], []>, transpose_lhs_hint = false} : vector<10240x64xf32>, vector<64x64xf32>, vector<10240x64xf32> -> vector<10240x64xf32>
    %mul3A_92 = vector.broadcast %get3A_44 : vector<10240x1xf32> to vector<10240x64xf32>
    %mul3A_93 = arith.mulf %dot_general3A_91, %mul3A_92 : vector<10240x64xf32>
    %swap3A_94 = arith.constant 0 : index
    %swap3A_95 = arith.constant 0 : index
    %swap3A_96 = vector.load %arg11[%swap3A_94, %swap3A_95] : memref<10240x64xf32, #tpu.memory_space<vmem>>, vector<10240x64xf32>
    tpu.vector_store %arg11[%swap3A_94, %swap3A_95], %mul3A_93 {strides = array<i32>} : memref<10240x64xf32, #tpu.memory_space<vmem>>, vector<10240x64xf32>,
    return
  }
}

module attributes {stable_mosaic.version = 14 : i64} {
  func.func @_tc_tail_body(%arg0: memref<10240x64xf32, #tpu.memory_space<vmem>>, %arg1: memref<10240x1xf32, #tpu.memory_space<vmem>>, %arg2: memref<1x64xf32, #tpu.memory_space<vmem>>, %arg3: memref<1x64xf32, #tpu.memory_space<vmem>>, %arg4: memref<10240x64xf32, #tpu.memory_space<vmem>>, %arg5: memref<10240x1xf32, #tpu.memory_space<vmem>>, %arg6: memref<1x64xf32, #tpu.memory_space<vmem>>, %arg7: memref<1x64xf32, #tpu.memory_space<vmem>>, %arg8: memref<1x10240xi32, #tpu.memory_space<vmem>>, %arg9: memref<1x10240xi32, #tpu.memory_space<vmem>>, %arg10: memref<128x64xf32, #tpu.memory_space<vmem>>, %arg11: memref<1x64xf32, #tpu.memory_space<vmem>>, %arg12: memref<64x2xf32, #tpu.memory_space<vmem>>, %arg13: memref<1x2xf32, #tpu.memory_space<vmem>>, %arg14: memref<256x2xf32, #tpu.memory_space<vmem>>) attributes {dimension_semantics = [], scalar_prefetch = 0 : i64, scratch_operands = 0 : i64, tpu.core_type = #tpu.core_type<tc>} {
    %iota3A = tpu.iota {dimensions = array<i32: 0>} : vector<256x10240xi32>
    %get3A = arith.constant 0 : index
    %get3A_0 = arith.constant 0 : index
    %get3A_1 = vector.load %arg0[%get3A, %get3A_0] : memref<10240x64xf32, #tpu.memory_space<vmem>>, vector<10240x64xf32>
    %get3A_2 = arith.constant 0 : index
    %get3A_3 = arith.constant 0 : index
    %get3A_4 = vector.load %arg1[%get3A_2, %get3A_3] : memref<10240x1xf32, #tpu.memory_space<vmem>>, vector<10240x1xf32>
    %mul3A = vector.broadcast %get3A_4 : vector<10240x1xf32> to vector<10240x64xf32>
    %mul3A_5 = arith.mulf %get3A_1, %mul3A : vector<10240x64xf32>
    %get3A_6 = arith.constant 0 : index
    %get3A_7 = arith.constant 0 : index
    %get3A_8 = vector.load %arg2[%get3A_6, %get3A_7] : memref<1x64xf32, #tpu.memory_space<vmem>>, vector<1x64xf32>
    %get3A_9 = arith.constant 0 : index
    %get3A_10 = arith.constant 0 : index
    %get3A_11 = vector.load %arg3[%get3A_9, %get3A_10] : memref<1x64xf32, #tpu.memory_space<vmem>>, vector<1x64xf32>
    %slice3A = vector.extract_strided_slice %mul3A_5 {offsets = [0, 0], sizes = [10000, 64], strides = [1, 1]} : vector<10240x64xf32> to vector<10000x64xf32>
    %reduce_sum3A = arith.constant dense<0.000000e+00> : vector<64xf32>
    %reduce_sum3A_12 = vector.multi_reduction <add>, %slice3A, %reduce_sum3A [0] : vector<10000x64xf32> to vector<64xf32>
    %broadcast_in_dim3A = vector.shape_cast %reduce_sum3A_12 : vector<64xf32> to vector<1x64xf32>
    %div3A = arith.constant 1.000000e+04 : f32
    %div3A_13 = vector.broadcast %div3A : f32 to vector<1x64xf32>
    %div3A_14 = arith.divf %broadcast_in_dim3A, %div3A_13 : vector<1x64xf32>
    %sub3A = vector.broadcast %div3A_14 : vector<1x64xf32> to vector<10000x64xf32>
    %sub3A_15 = arith.subf %slice3A, %sub3A : vector<10000x64xf32>
    %integer_pow3A = arith.mulf %sub3A_15, %sub3A_15 : vector<10000x64xf32>
    %reduce_sum3A_16 = arith.constant dense<0.000000e+00> : vector<64xf32>
    %reduce_sum3A_17 = vector.multi_reduction <add>, %integer_pow3A, %reduce_sum3A_16 [0] : vector<10000x64xf32> to vector<64xf32>
    %broadcast_in_dim3A_18 = vector.shape_cast %reduce_sum3A_17 : vector<64xf32> to vector<1x64xf32>
    %div3A_19 = arith.constant 1.000000e+04 : f32
    %div3A_20 = vector.broadcast %div3A_19 : f32 to vector<1x64xf32>
    %div3A_21 = arith.divf %broadcast_in_dim3A_18, %div3A_20 : vector<1x64xf32>
    %sub3A_22 = vector.broadcast %div3A_14 : vector<1x64xf32> to vector<10240x64xf32>
    %sub3A_23 = arith.subf %mul3A_5, %sub3A_22 : vector<10240x64xf32>
    %add3A = arith.constant 9.99999974E-6 : f32
    %add3A_24 = vector.broadcast %add3A : f32 to vector<1x64xf32>
    %add3A_25 = arith.addf %div3A_21, %add3A_24 : vector<1x64xf32>
    %rsqrt3A = math.rsqrt %add3A_25 : vector<1x64xf32>
    %mul3A_26 = vector.broadcast %rsqrt3A : vector<1x64xf32> to vector<10240x64xf32>
    %mul3A_27 = arith.mulf %sub3A_23, %mul3A_26 : vector<10240x64xf32>
    %mul3A_28 = vector.broadcast %get3A_8 : vector<1x64xf32> to vector<10240x64xf32>
    %mul3A_29 = arith.mulf %mul3A_27, %mul3A_28 : vector<10240x64xf32>
    %add3A_30 = vector.broadcast %get3A_11 : vector<1x64xf32> to vector<10240x64xf32>
    %add3A_31 = arith.addf %mul3A_29, %add3A_30 : vector<10240x64xf32>
    %max3A = arith.constant 0.000000e+00 : f32
    %max3A_32 = vector.broadcast %max3A : f32 to vector<10240x64xf32>
    %max3A_33 = arith.maximumf %add3A_31, %max3A_32 : vector<10240x64xf32>
    %get3A_34 = arith.constant 0 : index
    %get3A_35 = arith.constant 0 : index
    %get3A_36 = vector.load %arg8[%get3A_34, %get3A_35] : memref<1x10240xi32, #tpu.memory_space<vmem>>, vector<1x10240xi32>
    %eq3A = vector.broadcast %get3A_36 : vector<1x10240xi32> to vector<256x10240xi32>
    %eq3A_37 = arith.cmpi eq, %eq3A, %iota3A : vector<256x10240xi32>
    %jit3A = arith.constant 1.000000e+00 : f32
    %jit3A_38 = arith.constant 0.000000e+00 : f32
    %broadcast_in_dim3A_39 = vector.broadcast %jit3A : f32 to vector<256x10240xf32>
    %broadcast_in_dim3A_40 = vector.broadcast %jit3A_38 : f32 to vector<256x10240xf32>
    %select_n3A = arith.select %eq3A_37, %broadcast_in_dim3A_39, %broadcast_in_dim3A_40 : vector<256x10240xi1>, vector<256x10240xf32>
    %dot_general3A = arith.constant dense<0.000000e+00> : vector<256x64xf32>
    %dot_general3A_41 = tpu.matmul %select_n3A, %max3A_33, %dot_general3A {dimension_numbers = #tpu.dot_dimension_numbers<[1], [0], [0], [1], [0, 0, 1, 1], [], []>, precision = #tpu.contract_precision<fp32>, transpose_lhs_hint = false} : vector<256x10240xf32>, vector<10240x64xf32>, vector<256x64xf32> -> vector<256x64xf32>
    %reduce_sum3A_42 = arith.constant dense<0.000000e+00> : vector<256xf32>
    %reduce_sum3A_43 = vector.multi_reduction <add>, %select_n3A, %reduce_sum3A_42 [1] : vector<256x10240xf32> to vector<256xf32>
    %broadcast_in_dim3A_44 = vector.shape_cast %reduce_sum3A_43 : vector<256xf32> to vector<256x1xf32>
    %max3A_45 = arith.constant 1.000000e+00 : f32
    %max3A_46 = vector.broadcast %max3A_45 : f32 to vector<256x1xf32>
    %max3A_47 = arith.maximumf %broadcast_in_dim3A_44, %max3A_46 : vector<256x1xf32>
    %div3A_48 = vector.broadcast %max3A_47 : vector<256x1xf32> to vector<256x64xf32>
    %div3A_49 = arith.divf %dot_general3A_41, %div3A_48 : vector<256x64xf32>
    %get3A_50 = arith.constant 0 : index
    %get3A_51 = arith.constant 0 : index
    %get3A_52 = vector.load %arg4[%get3A_50, %get3A_51] : memref<10240x64xf32, #tpu.memory_space<vmem>>, vector<10240x64xf32>
    %get3A_53 = arith.constant 0 : index
    %get3A_54 = arith.constant 0 : index
    %get3A_55 = vector.load %arg5[%get3A_53, %get3A_54] : memref<10240x1xf32, #tpu.memory_space<vmem>>, vector<10240x1xf32>
    %mul3A_56 = vector.broadcast %get3A_55 : vector<10240x1xf32> to vector<10240x64xf32>
    %mul3A_57 = arith.mulf %get3A_52, %mul3A_56 : vector<10240x64xf32>
    %get3A_58 = arith.constant 0 : index
    %get3A_59 = arith.constant 0 : index
    %get3A_60 = vector.load %arg6[%get3A_58, %get3A_59] : memref<1x64xf32, #tpu.memory_space<vmem>>, vector<1x64xf32>
    %get3A_61 = arith.constant 0 : index
    %get3A_62 = arith.constant 0 : index
    %get3A_63 = vector.load %arg7[%get3A_61, %get3A_62] : memref<1x64xf32, #tpu.memory_space<vmem>>, vector<1x64xf32>
    %slice3A_64 = vector.extract_strided_slice %mul3A_57 {offsets = [0, 0], sizes = [10000, 64], strides = [1, 1]} : vector<10240x64xf32> to vector<10000x64xf32>
    %reduce_sum3A_65 = arith.constant dense<0.000000e+00> : vector<64xf32>
    %reduce_sum3A_66 = vector.multi_reduction <add>, %slice3A_64, %reduce_sum3A_65 [0] : vector<10000x64xf32> to vector<64xf32>
    %broadcast_in_dim3A_67 = vector.shape_cast %reduce_sum3A_66 : vector<64xf32> to vector<1x64xf32>
    %div3A_68 = arith.constant 1.000000e+04 : f32
    %div3A_69 = vector.broadcast %div3A_68 : f32 to vector<1x64xf32>
    %div3A_70 = arith.divf %broadcast_in_dim3A_67, %div3A_69 : vector<1x64xf32>
    %sub3A_71 = vector.broadcast %div3A_70 : vector<1x64xf32> to vector<10000x64xf32>
    %sub3A_72 = arith.subf %slice3A_64, %sub3A_71 : vector<10000x64xf32>
    %integer_pow3A_73 = arith.mulf %sub3A_72, %sub3A_72 : vector<10000x64xf32>
    %reduce_sum3A_74 = arith.constant dense<0.000000e+00> : vector<64xf32>
    %reduce_sum3A_75 = vector.multi_reduction <add>, %integer_pow3A_73, %reduce_sum3A_74 [0] : vector<10000x64xf32> to vector<64xf32>
    %broadcast_in_dim3A_76 = vector.shape_cast %reduce_sum3A_75 : vector<64xf32> to vector<1x64xf32>
    %div3A_77 = arith.constant 1.000000e+04 : f32
    %div3A_78 = vector.broadcast %div3A_77 : f32 to vector<1x64xf32>
    %div3A_79 = arith.divf %broadcast_in_dim3A_76, %div3A_78 : vector<1x64xf32>
    %sub3A_80 = vector.broadcast %div3A_70 : vector<1x64xf32> to vector<10240x64xf32>
    %sub3A_81 = arith.subf %mul3A_57, %sub3A_80 : vector<10240x64xf32>
    %add3A_82 = arith.constant 9.99999974E-6 : f32
    %add3A_83 = vector.broadcast %add3A_82 : f32 to vector<1x64xf32>
    %add3A_84 = arith.addf %div3A_79, %add3A_83 : vector<1x64xf32>
    %rsqrt3A_85 = math.rsqrt %add3A_84 : vector<1x64xf32>
    %mul3A_86 = vector.broadcast %rsqrt3A_85 : vector<1x64xf32> to vector<10240x64xf32>
    %mul3A_87 = arith.mulf %sub3A_81, %mul3A_86 : vector<10240x64xf32>
    %mul3A_88 = vector.broadcast %get3A_60 : vector<1x64xf32> to vector<10240x64xf32>
    %mul3A_89 = arith.mulf %mul3A_87, %mul3A_88 : vector<10240x64xf32>
    %add3A_90 = vector.broadcast %get3A_63 : vector<1x64xf32> to vector<10240x64xf32>
    %add3A_91 = arith.addf %mul3A_89, %add3A_90 : vector<10240x64xf32>
    %max3A_92 = arith.constant 0.000000e+00 : f32
    %max3A_93 = vector.broadcast %max3A_92 : f32 to vector<10240x64xf32>
    %max3A_94 = arith.maximumf %add3A_91, %max3A_93 : vector<10240x64xf32>
    %get3A_95 = arith.constant 0 : index
    %get3A_96 = arith.constant 0 : index
    %get3A_97 = vector.load %arg9[%get3A_95, %get3A_96] : memref<1x10240xi32, #tpu.memory_space<vmem>>, vector<1x10240xi32>
    %eq3A_98 = vector.broadcast %get3A_97 : vector<1x10240xi32> to vector<256x10240xi32>
    %eq3A_99 = arith.cmpi eq, %eq3A_98, %iota3A : vector<256x10240xi32>
    %jit3A_100 = arith.constant 1.000000e+00 : f32
    %jit3A_101 = arith.constant 0.000000e+00 : f32
    %broadcast_in_dim3A_102 = vector.broadcast %jit3A_100 : f32 to vector<256x10240xf32>
    %broadcast_in_dim3A_103 = vector.broadcast %jit3A_101 : f32 to vector<256x10240xf32>
    %select_n3A_104 = arith.select %eq3A_99, %broadcast_in_dim3A_102, %broadcast_in_dim3A_103 : vector<256x10240xi1>, vector<256x10240xf32>
    %dot_general3A_105 = arith.constant dense<0.000000e+00> : vector<256x64xf32>
    %dot_general3A_106 = tpu.matmul %select_n3A_104, %max3A_94, %dot_general3A_105 {dimension_numbers = #tpu.dot_dimension_numbers<[1], [0], [0], [1], [0, 0, 1, 1], [], []>, precision = #tpu.contract_precision<fp32>, transpose_lhs_hint = false} : vector<256x10240xf32>, vector<10240x64xf32>, vector<256x64xf32> -> vector<256x64xf32>
    %reduce_sum3A_107 = arith.constant dense<0.000000e+00> : vector<256xf32>
    %reduce_sum3A_108 = vector.multi_reduction <add>, %select_n3A_104, %reduce_sum3A_107 [1] : vector<256x10240xf32> to vector<256xf32>
    %broadcast_in_dim3A_109 = vector.shape_cast %reduce_sum3A_108 : vector<256xf32> to vector<256x1xf32>
    %max3A_110 = arith.constant 1.000000e+00 : f32
    %max3A_111 = vector.broadcast %max3A_110 : f32 to vector<256x1xf32>
    %max3A_112 = arith.maximumf %broadcast_in_dim3A_109, %max3A_111 : vector<256x1xf32>
    %div3A_113 = vector.broadcast %max3A_112 : vector<256x1xf32> to vector<256x64xf32>
    %div3A_114 = arith.divf %dot_general3A_106, %div3A_113 : vector<256x64xf32>
    %concatenate3A = tpu.concatenate %div3A_49, %div3A_114 in 1 : vector<256x64xf32>, vector<256x64xf32> -> vector<256x128xf32>
    %get3A_115 = arith.constant 0 : index
    %get3A_116 = arith.constant 0 : index
    %get3A_117 = vector.load %arg10[%get3A_115, %get3A_116] : memref<128x64xf32, #tpu.memory_space<vmem>>, vector<128x64xf32>
    %dot_general3A_118 = arith.constant dense<0.000000e+00> : vector<256x64xf32>
    %dot_general3A_119 = tpu.matmul %concatenate3A, %get3A_117, %dot_general3A_118 {dimension_numbers = #tpu.dot_dimension_numbers<[1], [0], [0], [1], [0, 0, 1, 1], [], []>, transpose_lhs_hint = false} : vector<256x128xf32>, vector<128x64xf32>, vector<256x64xf32> -> vector<256x64xf32>
    %get3A_120 = arith.constant 0 : index
    %get3A_121 = arith.constant 0 : index
    %get3A_122 = vector.load %arg11[%get3A_120, %get3A_121] : memref<1x64xf32, #tpu.memory_space<vmem>>, vector<1x64xf32>
    %add3A_123 = vector.broadcast %get3A_122 : vector<1x64xf32> to vector<256x64xf32>
    %add3A_124 = arith.addf %dot_general3A_119, %add3A_123 : vector<256x64xf32>
    %max3A_125 = arith.constant 0.000000e+00 : f32
    %max3A_126 = vector.broadcast %max3A_125 : f32 to vector<256x64xf32>
    %max3A_127 = arith.maximumf %add3A_124, %max3A_126 : vector<256x64xf32>
    %get3A_128 = arith.constant 0 : index
    %get3A_129 = arith.constant 0 : index
    %get3A_130 = vector.load %arg12[%get3A_128, %get3A_129] : memref<64x2xf32, #tpu.memory_space<vmem>>, vector<64x2xf32>
    %dot_general3A_131 = arith.constant dense<0.000000e+00> : vector<256x2xf32>
    %dot_general3A_132 = tpu.matmul %max3A_127, %get3A_130, %dot_general3A_131 {dimension_numbers = #tpu.dot_dimension_numbers<[1], [0], [0], [1], [0, 0, 1, 1], [], []>, transpose_lhs_hint = false} : vector<256x64xf32>, vector<64x2xf32>, vector<256x2xf32> -> vector<256x2xf32>
    %get3A_133 = arith.constant 0 : index
    %get3A_134 = arith.constant 0 : index
    %get3A_135 = vector.load %arg13[%get3A_133, %get3A_134] : memref<1x2xf32, #tpu.memory_space<vmem>>, vector<1x2xf32>
    %add3A_136 = vector.broadcast %get3A_135 : vector<1x2xf32> to vector<256x2xf32>
    %add3A_137 = arith.addf %dot_general3A_132, %add3A_136 : vector<256x2xf32>
    %swap3A = arith.constant 0 : index
    %swap3A_138 = arith.constant 0 : index
    %swap3A_139 = vector.load %arg14[%swap3A, %swap3A_138] : memref<256x2xf32, #tpu.memory_space<vmem>>, vector<256x2xf32>
    tpu.vector_store %arg14[%swap3A, %swap3A_138], %add3A_137 {strides = array<i32>} : memref<256x2xf32, #tpu.memory_space<vmem>>, vector<256x2xf32>,
    return
  }
}

</mosaic_0001>

<sc_bundles>
// kernel: kernel.11.cloned.1.call-start
scs
__scs_entry_jumppad:
0x0: {  	(pc) =	sbr.rel $0x88, $3  }
0x1: {  	(tag) =	ssettag $0x0;
	lr =	simm.s32 $0x1  }
0x2: {  	[smem:$0x3F8B] =	sst lr;
	_ =	strace $0xD0000000  }
0x3: {  	_ = 	snop  }
0x4: {  	_ = 	snop  }
0x5: {  	_ = 	snop  }
0x6: {  	_ = 	snop  }
0x7: {  	_ = 	snop  }
__scs_overlays_trampoline_lowered:
0x8: {  	[smem:$0x3F9A] =	sst s0  }
0x9: {  	[smem:$0x3F9B] =	sst s1  }
0xa: {  	[smem:$0x3F9C] =	sst s2  }
0xb: {  	[smem:$0x3F9D] =	sst s3  }
0xc: {  	[smem:$0x3F9E] =	sst s4  }
0xd: {  	[smem:$0x3F9F] =	sst s5  }
0xe: {  	[smem:$0x3FA0] =	sst s6  }
0xf: {  	[smem:$0x3FA1] =	sst s7  }
0x10: {  	[smem:$0x3FA2] =	sst s8  }
0x11: {  	[smem:$0x3FA3] =	sst s9;
	s0 =	simm.s32 @!p0 $0x0  }
0x12: {  	s1 =	sld [smem:$0x3F89];
	s0 =	simm.s32 @p0 $0x1  }
0x13: {  	[smem:$0x3FA4] =	sst s0;
	s0 =	simm.s32 @!p1 $0x0  }
0x14: {  	s2 =	sld [smem:$0x3F88];
	s0 =	simm.s32 @p1 $0x1  }
0x15: {  	[smem:$0x3FA5] =	sst s0;
	s0 =	simm.s32 @!p2 $0x0  }
0x16: {  	s3 =	sld [smem:$0x3FDB];
	s0 =	simm.s32 @p2 $0x1  }
0x17: {  	s4 =	simm.s32 $0x1BF5;
	[smem:$0x3FA7] =	sst s0  }
0x18: {  	s0 =	sld [smem:$0x3F8A];
	_ =	swait.ge [sflag:s4], $0x0  }
0x19: {  	s7 =	sld [smem:$0x3F8B]  }
0x1a: {  	s8 =	sadd.s32 $0xFFFFE003, lr  }
0x1b: {  	s9 =	sadd.s32 $0xFFFFFEF7, lr;
	s5 =	simm.s32 $0xFFFFFFFF;
	p2 =	slt.u32 s8, $0xFFFFF086  }
0x1c: {  	p1 =	slt.u32 s9, $0xF7A;
	s5 =	simm.s32 @!p2 $0x0  }
0x1d: {  	s5 =	simm.s32 @p1 $0x1;
	p0 =	seq.s32 s7, s2  }
0x1e: {  	s7 =	smul.u32 @!p0 $0xF7A, s2;
	p2 =	seq.s32 @!p0 s5, $0x0  }
0x1f: {  	s9 =	smul.u32 $0xF7A, s1;
	s8 =	simm.s32 @!p0 $0x1BF5;
	p2 =	por !p2, p0  }
0x20: {  	[sflag:s8] =	ssyncset.s32 @!p0 $0xFFFFF086;
	s6 =	sadd.s32 @!p0 s3, s7;
	s7 =	simm.s32 @!p0 $0x108  }
0x21: {  	s3 =	sadd.s32 s3, s9;
	s6 =	sadd.s32 @!p0 $0x88, s6;
	s7 =	simm.s32 @p2 $0x1082  }
0x22: {  	[simem:s7], [sflag:s8] =	dma.local @!p0 [hbm:s6], $0xF7A  }
0x23: {  	s9 =	sor.u32 $0xD0000000, s2;
	s6 =	simm.s32 $0x108;
	_ =	swait.ge @!p0 [sflag:s8], $0x0  }
0x24: {  	s3 =	sadd.s32 $0x88, s3;
	s6 =	simm.s32 @!p1 $0x1082;
	[sflag:s4] =	ssyncset.s32 $0xFFFFF086  }
0x25: {  	[simem:s6], [sflag:s4] =	dma.local [hbm:s3], $0xF7A  }
0x26: {  	[smem:$0x3F8B] =	sst s1;
	(tag) =	ssettag s2;
	_ =	strace s9  }
0x27: {  	s1 =	sld [smem:$0x3F9B]  }
0x28: {  	s2 =	sld [smem:$0x3F9C]  }
0x29: {  	s4 =	sld [smem:$0x3F9E]  }
0x2a: {  	p0 =	seq.s32 s5, $0x0;
	s5 =	sld [smem:$0x3F9F]  }
0x2b: {  	s6 =	sld [smem:$0x3FA0]  }
0x2c: {  	s7 =	sld [smem:$0x3FA1]  }
0x2d: {  	s3 =	simm.s32 $0x108;
	s8 =	sld [smem:$0x3FA2]  }
0x2e: {  	s3 =	simm.s32 @!p0 $0x1082;
	s9 =	sld [smem:$0x3FA3]  }
0x2f: {  	lr =	sadd.s32 s0, s3;
	s0 =	sld [smem:$0x3F9A]  }
0x30: {  	s3 =	sld [smem:$0x3F9D]  }
0x31: {  	[smem:$0x3FA6] =	sst s10  }
0x32: {  	s10 =	sld [smem:$0x3FA4];
	_ =	sdelay $0x3  }
0x33: {  	p0 =	seq.s32 s10, $0x1;
	s10 =	sld [smem:$0x3FA6];
	_ =	sdelay $0x3  }
0x34: {  	[smem:$0x3FA6] =	sst s10  }
0x35: {  	s10 =	sld [smem:$0x3FA5];
	_ =	sdelay $0x3  }
0x36: {  	p1 =	seq.s32 s10, $0x1;
	s10 =	sld [smem:$0x3FA6];
	_ =	sdelay $0x3  }
0x37: {  	[smem:$0x3FA6] =	sst s10  }
0x38: {  	s10 =	sld [smem:$0x3FA7]  }
0x39: {  	_ = 	snop;
	(pc) =	sbr.ind lr, $3  }
0x3a: {  	_ = 	snop  }
0x3b: {  	_ = 	snop  }
0x3c: {  	p2 =	seq.s32 s10, $0x1;
	s10 =	sld [smem:$0x3FA6]  }
0x3d: {  	_ =	shalt  }
0x3e: {  	_ =	shalt  }
0x3f: {  	_ =	shalt  }
0x40: {  	_ =	shalt  }
0x41: {  	_ =	shalt  }
0x42: {  	_ =	shalt  }
0x43: {  	_ =	shalt  }
0x44: {  	_ =	shalt  }
0x45: {  	_ =	shalt  }
0x46: {  	_ =	shalt  }
0x47: {  	_ =	shalt  }
0x48: {  	_ =	shalt  }
0x49: {  	_ =	shalt  }
0x4a: {  	_ =	shalt  }
0x4b: {  	_ =	shalt  }
0x4c: {  	_ =	shalt  }
0x4d: {  	_ =	shalt  }
0x4e: {  	_ =	shalt  }
0x4f: {  	_ =	shalt  }
0x50: {  	_ =	shalt  }
0x51: {  	_ =	shalt  }
0x52: {  	_ =	shalt  }
0x53: {  	_ =	shalt  }
0x54: {  	_ =	shalt  }
0x55: {  	_ =	shalt  }
0x56: {  	_ =	shalt  }
0x57: {  	_ =	shalt  }
0x58: {  	_ =	shalt  }
0x59: {  	_ =	shalt  }
0x5a: {  	_ =	shalt  }
0x5b: {  	_ =	shalt  }
0x5c: {  	_ =	shalt  }
0x5d: {  	_ =	shalt  }
0x5e: {  	_ =	shalt  }
0x5f: {  	_ =	shalt  }
0x60: {  	_ =	shalt  }
0x61: {  	_ =	shalt  }
0x62: {  	_ =	shalt  }
0x63: {  	_ =	shalt  }
0x64: {  	_ =	shalt  }
0x65: {  	_ =	shalt  }
0x66: {  	_ =	shalt  }
0x67: {  	_ =	shalt  }
0x68: {  	_ =	shalt  }
0x69: {  	_ =	shalt  }
0x6a: {  	_ =	shalt  }
0x6b: {  	_ =	shalt  }
0x6c: {  	_ =	shalt  }
0x6d: {  	_ =	shalt  }
0x6e: {  	_ =	shalt  }
0x6f: {  	_ =	shalt  }
0x70: {  	_ =	shalt  }
0x71: {  	_ =	shalt  }
0x72: {  	_ =	shalt  }
0x73: {  	_ =	shalt  }
0x74: {  	_ =	shalt  }
0x75: {  	_ =	shalt  }
0x76: {  	_ =	shalt  }
0x77: {  	_ =	shalt  }
0x78: {  	_ =	shalt  }
0x79: {  	_ =	shalt  }
0x7a: {  	_ =	shalt  }
0x7b: {  	_ =	shalt  }
0x7c: {  	_ =	shalt  }
0x7d: {  	_ =	shalt  }
0x7e: {  	_ =	shalt  }
0x7f: {  	_ =	shalt  }
0x80: {  	_ =	shalt  }
0x81: {  	_ =	shalt  }
0x82: {  	_ =	shalt  }
0x83: {  	_ =	shalt  }
0x84: {  	_ =	shalt  }
0x85: {  	_ =	shalt  }
0x86: {  	_ =	shalt  }
0x87: {  	_ =	shalt  }
.Lfunc_end0:
.L_simem_size_0:
called_computation.1_lowered:
.L_overlay_start_0:
0x88: {  	s2 =	sld [smem:$0x3FD9]  }
0x89: {  	s3 =	sld [smem:$0x3FFE];
	_ =	sdelay $0x1  }
0x8a: {  	s1 =	srdreg.scid  }
0x8b: {  	s0 =	sand.u32 $0x1, s1  }
0x8c: {  	s16 =	sshll.u32 s0, $0xA;
	s2 =	sadd.s32 s3, s2  }
0x8d: {  	s2 =	sadd.s32 s2, s16  }
0x8e: {  	[smem:$0x3FB2] =	sst s2  }
0x8f: {  	_ = 	snop  }
0x90: {  	(tm) =	ssettm $0x1  }
0x91: {  	s17 =	sld [smem:$0x3FFB];
	_ =	sdelay $0x3  }
0x92: {  	_ =	strace s17  }
0x93: {  	s2 =	sld [smem:$0x3FFC];
	_ =	sdelay $0x3  }
0x94: {  	_ =	strace s2  }
0x95: {  	s2 =	sld [smem:$0x3FFD];
	_ =	sdelay $0x3  }
0x96: {  	_ =	strace s2  }
0x97: {  	_ =	strace $0x8FFFFFFF  }
0x98: {  	s18 =	sld [smem:$0x3FDB];
	_ =	sdelay $0x1  }
0x99: {  	s19 =	simm.s32 $_scs_section_size  }
0x9a: {  	s4 =	simm.s32 $_size__tile_overlayer_lowered;
	s5 =	simm.s32 $_tile_overlayer_lowered  }
0x9b: {  	s22 =	simm.s32 $0x1BFF;
	s21 =	sshll.u32 s5, $0x1;
	s2 =	sadd.s32 s19, s18  }
0x9c: {  	s6 =	simm.s32 $0x0;
	s20 =	sshll.u32 s4, $0x1;
	s4 =	sadd.s32 s21, s2  }
0x9d: {  	[timem:s6], [sflag:s22] =	dma.local [hbm:s4], s20  }
0x9e: {  	_ =	swait.ge [sflag:s22], s20  }
0x9f: {  	s3 =	ssub.s32 $0x0, s20;
	[sflag:s22] =	ssyncset.done $0x0  }
0xa0: {  	[sflag:s22] =	ssyncadd.s32 s3;
	_ =	sdelay $0x1  }
0xa1: {  	s23 =	simm.s32 $0x1B8B  }
0xa2: {  	_ =	swait.ge [sflag:s23], $0x1  }
0xa3: {  	[sflag:s23] =	ssyncset.done $0x0  }
0xa4: {  	s25 =	simm.s32 $0x1B8E;
	s24 =	sld [smem:$0x3FFE];
	[sflag:s23] =	ssyncadd.s32 $0xFFFFFFFF  }
0xa5: {  	s26 =	simm.s32 $execute0_lowered;
	[smem:$0x3FD2] =	sst s25  }
0xa6: {  	s4 =	sshll.u32 s26, $0x1;
	_ =	strace $0x80000049;
	[dreg:$0x1] =	wrdreg $0xFFFFFFFF  }
0xa7: {  	s28 =	simm.s32 $_size_execute0_lowered;
	s2 =	sadd.s32 s2, s4;
	[dreg:$0x0] =	wrdreg $0x0  }
0xa8: {  	s4 =	sshll.u32 s28, $0x1;
	[dreg:$0x2] =	wrdreg s2  }
0xa9: {  	[dreg:$0x3] =	wrdreg s4  }
0xaa: {  	[dreg:$0x4] =	wrdreg $0xC0  }
0xab: {  	_ =	task [dreg:s6], $0x5FFFF  }
0xac: {  	[dreg:$0x1] =	wrdreg $0xFFFFFFFF  }
0xad: {  	[dreg:$0x0] =	wrdreg $0x60  }
0xae: {  	[dreg:$0x2] =	wrdreg s24  }
0xaf: {  	[dreg:$0x3] =	wrdreg $0x0  }
0xb0: {  	[dreg:$0x4] =	wrdreg $0x9  }
0xb1: {  	_ =	task.clear_ibuf [dreg:s6], $0x5FFFF;
	_ =	strace $0x90000049  }
0xb2: {  	s29 =	simm.s32 $0x9;
	_ =	strace $0x8000004B  }
0xb3: {  	_ =	swait.ge [sflag:s29], $0x1  }
0xb4: {  	[sflag:s29] =	ssyncadd.s32 $0xFFFFFFFF  }
0xb5: {  	_ =	strace $0x9000004B  }
0xb6: {  	_ =	sfence  }
0xb7: {  	s30 =	sld [smem:$0x0];
	_ =	sdelay $0x2  }
0xb8: {  	s31 =	sshll.u32 s1, $0xD;
	s1 =	sshrl.u32 s1, $0x2  }
0xb9: {  	s3 =	sand.u32 $0x4000, s31;
	s1 =	sadd.s32 s1, s30  }
0xba: {  	s0 =	sor.u32 s3, s0;
	s1 =	sshll.u32 s1, $0x11  }
0xbb: {  	s0 =	sor.u32 s1, s0  }
0xbc: {  	s0 =	sadd.s32 $0x8F2B, s0  }
0xbd: {  	[sflag:s0] =	ssyncadd.remote.s32 $0x1  }
0xbe: {  	_ =	sfence.sel $0xFFFF  }
0xbf: {  	[dreg:$0x0] =	wrdreg $0xFFFFFFFF;
	(pc) =	sbr.abs _section_cstart, $3  }
0xc0: {  	[dreg:$0x1] =	wrdreg $0xFFFFFFFF  }
0xc1: {  	_ =	task.clear_ibuf [dreg:s6], $0x2FFFF;
	_ =	strace $0x9FFFFFFF  }
0xc2: {  	(tm) =	ssettm $0x7FFFFFFF  }
0xc3: {  	_ =	shalt  }
tec
execute0_lowered:
.L_overlay_start_1:
0x0: {  	(tag) =	ssettag $0x1  }
0x1: {  	s7 =	rddreg [dreg:$0x0]  }
0x2: {  	s2 =	rddreg [dreg:$0x1];
	s3 =	simm.s32 $0x0  }
0x3: {  	s0 =	stileid.u32;
	s9 =	srdreg.scid;
	s19 =	simm.s32 $0x3  }
0x4: {  	s20 =	simm.s32 $0xA000;
	s21 =	simm.s32 $0xF000;
	s22 =	simm.s32 $0x80  }
0x5: {  	s23 =	simm.s32 $0x13F00;
	s24 =	simm.s32 $0x15F00;
	s25 =	simm.s32 $0x1  }
0x6: {  	s26 =	simm.s32 $0x2;
	[smem:$0x7FF] =	sst s3;
	s6 =	smul.u32 $0xA00, s0  }
0x7: {  	s4 =	sadd.s32 $0x48400, s7;
	s5 =	sadd.s32 $0x34400, s7;
	s8 =	smul.u32 $0x9E0, s0  }
0x8: {  	s17 =	sand.u32 $0x1, s9;
	s31 =	smul.u32 $0xA000, s0;
	s15 =	sshll.u32 s0, $0x6  }
0x9: {  	_ =	strace $0x8000004A;
	s10 =	ssub.s32 $0x2, s17;
	p0 =	seq.s32 s17, $0x0  }
0xa: {  	s17 =	sor.u32 $0x1C03, s15;
	s13 =	sadd.s32 s6, s7;
	s14 =	sadd.s32 s8, s7  }
.Ltmp0:
0xb: {  	s6 =	sadd.s32 $0x70400, s7;
	s7 =	sadd.s32 $0x5C400, s7;
	(pc) =	sbr.rel .LBB2_1-.Ltmp0, $4  }
0xc: {  	s11 =	sshrl.u32 s10, $0x1;
	s8 =	sshrl.u32 s31, $0x3;
	s18 =	sadd.s32 s31, s2  }
0xd: {  	s16 =	ssub.s32 s10, s11;
	s9 =	sadd.s32 s5, s8;
	s10 =	sadd.s32 $0x20400, s13  }
0xe: {  	s11 =	sadd.s32 $0x4E00, s14;
	s12 =	sadd.s32 s4, s8;
	s13 =	sadd.s32 $0x2A400, s13  }
0xf: {  	s14 =	sadd.s32 $0xEC00, s14;
	s18 =	sshrl.u32 s18, $0x3;
	s16 =	smax.u32 s16, $0x1  }
.LBB2_7:
0x10: {  	s0 =	sadd.s32 $0xA080, s28;
	[sflag:s19] =	ssyncadd.s32 $0xFFFFE000  }
0x11: {  	[tilespmem:s24], [sflag:$0x2] =	stream.indirect.gather [hbm4b:s4+s22], $0x40, s0, s22, $0xb8;
	[tilespmem:$0x17F00] =	vst v63  }
0x12: {  	_ =	swait.ge [sflag:s25], $0x2000  }
0x13: {  	[sflag:s25] =	ssyncset.done $0x0  }
0x14: {  	s1 =	sadd.s32 $0xF000, s28;
	[sflag:s25] =	ssyncadd.s32 $0xFFFFE000  }
0x15: {  	[spmem:s2] =	stream.indirect.scatter.add.f32 [tilespmem:s23], [sflag:$0x3], $0x40, s1, s22, $0xb8;
	[tilespmem:$0x17F00] =	vst v63  }
0x16: {  	_ =	swait.ge [sflag:s19], $0x2000  }
0x17: {  	[sflag:s19] =	ssyncset.done $0x0  }
0x18: {  	s30 =	sadd.s32 $0xA100, s28;
	[sflag:s19] =	ssyncadd.s32 $0xFFFFE000  }
0x19: {  	[tilespmem:s23], [sflag:$0x1] =	stream.indirect.gather [hbm4b:s4+s22], $0x40, s30, s22, $0xb8;
	[tilespmem:$0x17F00] =	vst v63  }
0x1a: {  	_ =	swait.ge [sflag:s26], $0x2000  }
0x1b: {  	[sflag:s26] =	ssyncset.done $0x0  }
0x1c: {  	s31 =	sadd.s32 $0xF080, s28;
	[sflag:s26] =	ssyncadd.s32 $0xFFFFE000  }
0x1d: {  	[spmem:s2] =	stream.indirect.scatter.add.f32 [tilespmem:s24], [sflag:$0x3], $0x40, s31, s22, $0xb8;
	[tilespmem:$0x17F00] =	vst v63  }
0x1e: {  	_ =	swait.ge [sflag:s19], $0x2000  }
0x1f: {  	[sflag:s19] =	ssyncset.done $0x0  }
0x20: {  	s29 =	smov.u32 s6;
	s28 =	smov.u32 s17;
	[sflag:s19] =	ssyncadd.s32 $0xFFFFE000  }
.LBB2_8:
0x21: {  	_ =	swait.ge [sflag:s25], $0x2000  }
0x22: {  	s3 =	sadd.s32 $0x1, s3;
	[sflag:s25] =	ssyncset.done $0x0  }
0x23: {  	p1 =	sne.s32 s3, s16;
	[sflag:s25] =	ssyncadd.s32 $0xFFFFE000  }
.Ltmp1:
0x24: {  	s0 =	sadd.s32 s29, s8;
	[bflag:$0x0] =	sbarrier.arrive $0xFFFF;
	(pc) =	sbr.rel @!p1 .LBB2_9-.Ltmp1, $4  }
0x25: {  	[hbm:s0], [sflag:s28] =	dma.local [spmem:s18], $0x1400  }
0x26: {  	_ =	swait.ge [sflag:s19], $0x1400  }
0x27: {  	[sflag:s19] =	ssyncset.done $0x0  }
0x28: {  	[sflag:s19] =	ssyncadd.s32 $0xFFFFEC00  }
.LBB2_1:
.Ltmp2:
0x29: {  	(pc) =	sbr.rel @!p0 .LBB2_2-.Ltmp2, $1  }
0x2a: {  	_ =	sdelay $0x3  }
0x2b: {  	[spmem:s18], [sflag:s17] =	dma.local [hbm:s12], $0x1400  }
0x2c: {  	_ =	swait.ge [sflag:s19], $0x1400  }
0x2d: {  	[sflag:s19] =	ssyncset.done $0x0  }
0x2e: {  	s28 =	simm.s32 $0x0;
	[sflag:s19] =	ssyncadd.s32 $0xFFFFEC00  }
0x2f: {  	[tilespmem:s20], [sflag:$0x3] =	stream.linear.gather [hbm4b:s13+s28], $0x5000, $0x38;
	[tilespmem:$0x17F00] =	vst v63  }
0x30: {  	_ =	swait.ge [sflag:s19], $0x5000  }
0x31: {  	[sflag:s19] =	ssyncset.done $0x0  }
0x32: {  	[sflag:s19] =	ssyncadd.s32 $0xFFFFB000  }
0x33: {  	[tilespmem:s21], [sflag:$0x3] =	stream.linear.gather [hbm4b:s14+s28], $0x4F00, $0x38;
	[tilespmem:$0x17F00] =	vst v63  }
0x34: {  	_ =	swait.ge [sflag:s19], $0x4F00  }
0x35: {  	[sflag:s19] =	ssyncset.done $0x0  }
0x36: {  	[sflag:s19] =	ssyncadd.s32 $0xFFFFB100  }
0x37: {  	[bflag:$0x0] =	sbarrier.arrive $0xFFFF  }
0x38: {  	[tilespmem:s23], [sflag:$0x1] =	stream.indirect.gather [hbm4b:s4+s22], $0x40, s20, s22, $0xb8;
	[tilespmem:$0x17F00] =	vst v63  }
0x39: {  	s28 =	simm.s32 $0xA080  }
0x3a: {  	[tilespmem:s24], [sflag:$0x2] =	stream.indirect.gather [hbm4b:s4+s22], $0x40, s28, s22, $0xb8;
	[tilespmem:$0x17F00] =	vst v63  }
0x3b: {  	_ =	swait.ge [sflag:s25], $0x2000  }
0x3c: {  	[sflag:s25] =	ssyncset.done $0x0  }
0x3d: {  	s28 =	simm.s32 $0xF000;
	[sflag:s25] =	ssyncadd.s32 $0xFFFFE000  }
0x3e: {  	[spmem:s2] =	stream.indirect.scatter.add.f32 [tilespmem:s23], [sflag:$0x3], $0x40, s28, s22, $0xb8;
	[tilespmem:$0x17F00] =	vst v63  }
0x3f: {  	_ =	swait.ge [sflag:s19], $0x2000  }
0x40: {  	[sflag:s19] =	ssyncset.done $0x0  }
0x41: {  	s28 =	simm.s32 $0xA100;
	[sflag:s19] =	ssyncadd.s32 $0xFFFFE000  }
0x42: {  	[tilespmem:s23], [sflag:$0x1] =	stream.indirect.gather [hbm4b:s4+s22], $0x40, s28, s22, $0xb8;
	[tilespmem:$0x17F00] =	vst v63  }
0x43: {  	_ =	swait.ge [sflag:s26], $0x2000  }
0x44: {  	[sflag:s26] =	ssyncset.done $0x0  }
0x45: {  	s28 =	simm.s32 $0xF080;
	[sflag:s26] =	ssyncadd.s32 $0xFFFFE000  }
0x46: {  	[spmem:s2] =	stream.indirect.scatter.add.f32 [tilespmem:s24], [sflag:$0x3], $0x40, s28, s22, $0xb8;
	[tilespmem:$0x17F00] =	vst v63  }
0x47: {  	_ =	swait.ge [sflag:s19], $0x2000  }
0x48: {  	s29 =	simm.s32 $0x800;
	s28 =	simm.s32 $0x100;
	[sflag:s19] =	ssyncset.done $0x0  }
.LBB2_6:
0x49: {  	s30 =	sadd.s32 $0xA080, s28  }
0x4a: {  	[sflag:s19] =	ssyncadd.s32 $0xFFFFE000;
	s31 =	smov.u32 s29;
	s0 =	sadd.s32 $0x400, s29  }
0x4b: {  	[tilespmem:s24], [sflag:$0x2] =	stream.indirect.gather [hbm4b:s4+s22], $0x40, s30, s22, $0xb8;
	[tilespmem:$0x17F00] =	vst v63  }
0x4c: {  	p1 =	seq.s32 s29, $0x13800;
	_ =	swait.ge [sflag:s25], $0x2000  }
0x4d: {  	[sflag:s25] =	ssyncset.done $0x0  }
0x4e: {  	s29 =	sadd.s32 $0xF000, s28;
	[sflag:s25] =	ssyncadd.s32 $0xFFFFE000  }
0x4f: {  	[spmem:s2] =	stream.indirect.scatter.add.f32 [tilespmem:s23], [sflag:$0x3], $0x40, s29, s22, $0xb8;
	[tilespmem:$0x17F00] =	vst v63  }
0x50: {  	_ =	swait.ge [sflag:s19], $0x2000  }
0x51: {  	[sflag:s19] =	ssyncset.done $0x0  }
0x52: {  	s29 =	sadd.s32 $0xA100, s28;
	[sflag:s19] =	ssyncadd.s32 $0xFFFFE000  }
0x53: {  	[tilespmem:s23], [sflag:$0x1] =	stream.indirect.gather [hbm4b:s4+s22], $0x40, s29, s22, $0xb8;
	[tilespmem:$0x17F00] =	vst v63  }
0x54: {  	_ =	swait.ge [sflag:s26], $0x2000  }
.Ltmp3:
0x55: {  	[sflag:s26] =	ssyncset.done $0x0;
	(pc) =	sbr.rel @!p1 .LBB2_6-.Ltmp3, $4  }
0x56: {  	s28 =	sadd.s32 $0xF080, s28;
	[sflag:s26] =	ssyncadd.s32 $0xFFFFE000  }
0x57: {  	[spmem:s2] =	stream.indirect.scatter.add.f32 [tilespmem:s24], [sflag:$0x3], $0x40, s28, s22, $0xb8;
	[tilespmem:$0x17F00] =	vst v63  }
0x58: {  	_ =	swait.ge [sflag:s19], $0x2000  }
0x59: {  	s29 =	smov.u32 s0;
	s28 =	sshra.s32 s31, $0x2;
	[sflag:s19] =	ssyncset.done $0x0  }
.Ltmp4:
0x5a: {  	_ = 	snop;
	(pc) =	sbr.rel .LBB2_7-.Ltmp4, $1  }
0x5b: {  	_ =	sdelay $0x3  }
.LBB2_2:
0x5c: {  	s28 =	sor.u32 $0x1C03, s15  }
0x5d: {  	[spmem:s18], [sflag:s28] =	dma.local [hbm:s9], $0x1400  }
0x5e: {  	_ =	swait.ge [sflag:s19], $0x1400  }
0x5f: {  	[sflag:s19] =	ssyncset.done $0x0  }
0x60: {  	s29 =	simm.s32 $0x0;
	[sflag:s19] =	ssyncadd.s32 $0xFFFFEC00  }
0x61: {  	[tilespmem:s20], [sflag:$0x3] =	stream.linear.gather [hbm4b:s10+s29], $0x5000, $0x38;
	[tilespmem:$0x17F00] =	vst v63  }
0x62: {  	_ =	swait.ge [sflag:s19], $0x5000  }
0x63: {  	[sflag:s19] =	ssyncset.done $0x0  }
0x64: {  	[sflag:s19] =	ssyncadd.s32 $0xFFFFB000  }
0x65: {  	[tilespmem:s21], [sflag:$0x3] =	stream.linear.gather [hbm4b:s11+s29], $0x4F00, $0x38;
	[tilespmem:$0x17F00] =	vst v63  }
0x66: {  	_ =	swait.ge [sflag:s19], $0x4F00  }
0x67: {  	[sflag:s19] =	ssyncset.done $0x0  }
0x68: {  	[sflag:s19] =	ssyncadd.s32 $0xFFFFB100  }
0x69: {  	[bflag:$0x0] =	sbarrier.arrive $0xFFFF  }
0x6a: {  	[tilespmem:s23], [sflag:$0x1] =	stream.indirect.gather [hbm4b:s5+s22], $0x40, s20, s22, $0xb8;
	[tilespmem:$0x17F00] =	vst v63  }
0x6b: {  	s0 =	simm.s32 $0xA080  }
0x6c: {  	[tilespmem:s24], [sflag:$0x2] =	stream.indirect.gather [hbm4b:s5+s22], $0x40, s0, s22, $0xb8;
	[tilespmem:$0x17F00] =	vst v63  }
0x6d: {  	_ =	swait.ge [sflag:s25], $0x2000  }
0x6e: {  	[sflag:s25] =	ssyncset.done $0x0  }
0x6f: {  	s31 =	simm.s32 $0xF000;
	[sflag:s25] =	ssyncadd.s32 $0xFFFFE000  }
0x70: {  	[spmem:s2] =	stream.indirect.scatter.add.f32 [tilespmem:s23], [sflag:$0x3], $0x40, s31, s22, $0xb8;
	[tilespmem:$0x17F00] =	vst v63  }
0x71: {  	_ =	swait.ge [sflag:s19], $0x2000  }
0x72: {  	[sflag:s19] =	ssyncset.done $0x0  }
0x73: {  	s1 =	simm.s32 $0xA100;
	[sflag:s19] =	ssyncadd.s32 $0xFFFFE000  }
0x74: {  	[tilespmem:s23], [sflag:$0x1] =	stream.indirect.gather [hbm4b:s5+s22], $0x40, s1, s22, $0xb8;
	[tilespmem:$0x17F00] =	vst v63  }
0x75: {  	_ =	swait.ge [sflag:s26], $0x2000  }
0x76: {  	[sflag:s26] =	ssyncset.done $0x0  }
0x77: {  	s31 =	simm.s32 $0xF080;
	[sflag:s26] =	ssyncadd.s32 $0xFFFFE000  }
0x78: {  	[spmem:s2] =	stream.indirect.scatter.add.f32 [tilespmem:s24], [sflag:$0x3], $0x40, s31, s22, $0xb8;
	[tilespmem:$0x17F00] =	vst v63  }
0x79: {  	_ =	swait.ge [sflag:s19], $0x2000  }
0x7a: {  	s30 =	simm.s32 $0x800;
	s29 =	simm.s32 $0x100;
	[sflag:s19] =	ssyncset.done $0x0  }
.LBB2_3:
0x7b: {  	s0 =	sadd.s32 $0xA080, s29  }
0x7c: {  	[sflag:s19] =	ssyncadd.s32 $0xFFFFE000;
	s31 =	smov.u32 s30;
	s1 =	sadd.s32 $0x400, s30  }
0x7d: {  	[tilespmem:s24], [sflag:$0x2] =	stream.indirect.gather [hbm4b:s5+s22], $0x40, s0, s22, $0xb8;
	[tilespmem:$0x17F00] =	vst v63  }
0x7e: {  	p1 =	sne.s32 s30, $0x13800;
	_ =	swait.ge [sflag:s25], $0x2000  }
0x7f: {  	[sflag:s25] =	ssyncset.done $0x0  }
0x80: {  	s0 =	sadd.s32 $0xF000, s29;
	[sflag:s25] =	ssyncadd.s32 $0xFFFFE000  }
0x81: {  	[spmem:s2] =	stream.indirect.scatter.add.f32 [tilespmem:s23], [sflag:$0x3], $0x40, s0, s22, $0xb8;
	[tilespmem:$0x17F00] =	vst v63  }
0x82: {  	_ =	swait.ge [sflag:s19], $0x2000  }
0x83: {  	[sflag:s19] =	ssyncset.done $0x0  }
0x84: {  	s0 =	sadd.s32 $0xA100, s29;
	[sflag:s19] =	ssyncadd.s32 $0xFFFFE000  }
0x85: {  	[tilespmem:s23], [sflag:$0x1] =	stream.indirect.gather [hbm4b:s5+s22], $0x40, s0, s22, $0xb8;
	[tilespmem:$0x17F00] =	vst v63  }
0x86: {  	_ =	swait.ge [sflag:s26], $0x2000  }
.Ltmp5:
0x87: {  	[sflag:s26] =	ssyncset.done $0x0;
	(pc) =	sbr.rel @p1 .LBB2_3-.Ltmp5, $4  }
0x88: {  	s0 =	sadd.s32 $0xF080, s29;
	[sflag:s26] =	ssyncadd.s32 $0xFFFFE000  }
0x89: {  	[spmem:s2] =	stream.indirect.scatter.add.f32 [tilespmem:s24], [sflag:$0x3], $0x40, s0, s22, $0xb8;
	[tilespmem:$0x17F00] =	vst v63  }
0x8a: {  	_ =	swait.ge [sflag:s19], $0x2000  }
0x8b: {  	s30 =	smov.u32 s1;
	s29 =	sshra.s32 s31, $0x2;
	[sflag:s19] =	ssyncset.done $0x0  }
0x8c: {  	s0 =	sadd.s32 $0xA080, s29;
	[sflag:s19] =	ssyncadd.s32 $0xFFFFE000  }
0x8d: {  	[tilespmem:s24], [sflag:$0x2] =	stream.indirect.gather [hbm4b:s5+s22], $0x40, s0, s22, $0xb8;
	[tilespmem:$0x17F00] =	vst v63  }
0x8e: {  	_ =	swait.ge [sflag:s25], $0x2000  }
0x8f: {  	[sflag:s25] =	ssyncset.done $0x0  }
0x90: {  	s1 =	sadd.s32 $0xF000, s29;
	[sflag:s25] =	ssyncadd.s32 $0xFFFFE000  }
0x91: {  	[spmem:s2] =	stream.indirect.scatter.add.f32 [tilespmem:s23], [sflag:$0x3], $0x40, s1, s22, $0xb8;
	[tilespmem:$0x17F00] =	vst v63  }
0x92: {  	_ =	swait.ge [sflag:s19], $0x2000  }
0x93: {  	[sflag:s19] =	ssyncset.done $0x0  }
0x94: {  	s30 =	sadd.s32 $0xA100, s29;
	[sflag:s19] =	ssyncadd.s32 $0xFFFFE000  }
0x95: {  	[tilespmem:s23], [sflag:$0x1] =	stream.indirect.gather [hbm4b:s5+s22], $0x40, s30, s22, $0xb8;
	[tilespmem:$0x17F00] =	vst v63  }
0x96: {  	_ =	swait.ge [sflag:s26], $0x2000  }
0x97: {  	[sflag:s26] =	ssyncset.done $0x0  }
.Ltmp6:
0x98: {  	s31 =	sadd.s32 $0xF080, s29;
	[sflag:s26] =	ssyncadd.s32 $0xFFFFE000;
	(pc) =	sbr.rel .LBB2_8-.Ltmp6, $4  }
0x99: {  	[spmem:s2] =	stream.indirect.scatter.add.f32 [tilespmem:s24], [sflag:$0x3], $0x40, s31, s22, $0xb8;
	[tilespmem:$0x17F00] =	vst v63  }
0x9a: {  	_ =	swait.ge [sflag:s19], $0x2000  }
0x9b: {  	[sflag:s19] =	ssyncset.done $0x0  }
0x9c: {  	s29 =	smov.u32 s7;
	[sflag:s19] =	ssyncadd.s32 $0xFFFFE000  }
.LBB2_9:
0x9d: {  	_ =	sfence.sel $0x180000  }
0x9e: {  	[bflag:$0x0] =	sbarrier.arrive $0xFFFF  }
0x9f: {  	_ =	strace $0x9000004A  }
0xa0: {  	s0 =	stileid.u32;
	[bflag:$0x2] =	sbarrier.arrive $0xFFFF  }
0xa1: {  	p0 =	sne.s32 s0, $0x0;
	s0 =	rddreg [dreg:$0x2]  }
0xa2: {  	s0 =	sadd.s32 @!p0 $0x100000, s0  }
0xa3: {  	[sflag:s0] =	ssyncadd.tile.s32 @!p0 $0x1;
	_ =	shalt  }
.Lfunc_end2:
_tile_overlayer_lowered:
.L_overlay_start_2:
0xa4: {  	(tag) =	ssettag $0x2  }
0xa5: {  	s0 =	rddreg [dreg:$0x0];
	s2 =	stileid.u32  }
0xa6: {  	s1 =	rddreg [dreg:$0x1];
	p0 =	sne.s32 s2, $0x0  }
0xa7: {  	s3 =	rddreg [dreg:$0x2];
	[bflag:$0x3] =	sbarrier.arrive $0xFFFF;
	s2 =	simm.s32 @!p0 $0x1C03  }
0xa8: {  	[timem:s3], [sflag:s2] =	dma.local @!p0 [hbm:s0], s1  }
0xa9: {  	s0 =	simm.s32 @!p0 $0x3  }
0xaa: {  	_ =	swait.ge @!p0 [sflag:s0], s1  }
0xab: {  	s1 =	ssub.s32 @!p0 $0x0, s1;
	[sflag:s0] =	ssyncset.done @!p0 $0x0  }
0xac: {  	[sflag:s0] =	ssyncadd.s32 @!p0 s1  }
0xad: {  	[bflag:$0x3] =	sbarrier.arrive $0xFFFF  }
0xae: {  	_ =	shalt  }

// kernel: kernel.14.cloned.1.call-start
scs
__scs_entry_jumppad:
0x0: {  	(pc) =	sbr.rel $0x88, $3  }
0x1: {  	(tag) =	ssettag $0x0;
	lr =	simm.s32 $0x1  }
0x2: {  	[smem:$0x3F8B] =	sst lr;
	_ =	strace $0xD0000000  }
0x3: {  	_ = 	snop  }
0x4: {  	_ = 	snop  }
0x5: {  	_ = 	snop  }
0x6: {  	_ = 	snop  }
0x7: {  	_ = 	snop  }
__scs_overlays_trampoline_lowered:
0x8: {  	[smem:$0x3F9A] =	sst s0  }
0x9: {  	[smem:$0x3F9B] =	sst s1  }
0xa: {  	[smem:$0x3F9C] =	sst s2  }
0xb: {  	[smem:$0x3F9D] =	sst s3  }
0xc: {  	[smem:$0x3F9E] =	sst s4  }
0xd: {  	[smem:$0x3F9F] =	sst s5  }
0xe: {  	[smem:$0x3FA0] =	sst s6  }
0xf: {  	[smem:$0x3FA1] =	sst s7  }
0x10: {  	[smem:$0x3FA2] =	sst s8  }
0x11: {  	[smem:$0x3FA3] =	sst s9;
	s0 =	simm.s32 @!p0 $0x0  }
0x12: {  	s1 =	sld [smem:$0x3F89];
	s0 =	simm.s32 @p0 $0x1  }
0x13: {  	[smem:$0x3FA4] =	sst s0;
	s0 =	simm.s32 @!p1 $0x0  }
0x14: {  	s2 =	sld [smem:$0x3F88];
	s0 =	simm.s32 @p1 $0x1  }
0x15: {  	[smem:$0x3FA5] =	sst s0;
	s0 =	simm.s32 @!p2 $0x0  }
0x16: {  	s3 =	sld [smem:$0x3FDB];
	s0 =	simm.s32 @p2 $0x1  }
0x17: {  	s4 =	simm.s32 $0x1BF5;
	[smem:$0x3FA7] =	sst s0  }
0x18: {  	s0 =	sld [smem:$0x3F8A];
	_ =	swait.ge [sflag:s4], $0x0  }
0x19: {  	s7 =	sld [smem:$0x3F8B]  }
0x1a: {  	s8 =	sadd.s32 $0xFFFFE003, lr  }
0x1b: {  	s9 =	sadd.s32 $0xFFFFFEF7, lr;
	s5 =	simm.s32 $0xFFFFFFFF;
	p2 =	slt.u32 s8, $0xFFFFF086  }
0x1c: {  	p1 =	slt.u32 s9, $0xF7A;
	s5 =	simm.s32 @!p2 $0x0  }
0x1d: {  	s5 =	simm.s32 @p1 $0x1;
	p0 =	seq.s32 s7, s2  }
0x1e: {  	s7 =	smul.u32 @!p0 $0xF7A, s2;
	p2 =	seq.s32 @!p0 s5, $0x0  }
0x1f: {  	s9 =	smul.u32 $0xF7A, s1;
	s8 =	simm.s32 @!p0 $0x1BF5;
	p2 =	por !p2, p0  }
0x20: {  	[sflag:s8] =	ssyncset.s32 @!p0 $0xFFFFF086;
	s6 =	sadd.s32 @!p0 s3, s7;
	s7 =	simm.s32 @!p0 $0x108  }
0x21: {  	s3 =	sadd.s32 s3, s9;
	s6 =	sadd.s32 @!p0 $0x88, s6;
	s7 =	simm.s32 @p2 $0x1082  }
0x22: {  	[simem:s7], [sflag:s8] =	dma.local @!p0 [hbm:s6], $0xF7A  }
0x23: {  	s9 =	sor.u32 $0xD0000000, s2;
	s6 =	simm.s32 $0x108;
	_ =	swait.ge @!p0 [sflag:s8], $0x0  }
0x24: {  	s3 =	sadd.s32 $0x88, s3;
	s6 =	simm.s32 @!p1 $0x1082;
	[sflag:s4] =	ssyncset.s32 $0xFFFFF086  }
0x25: {  	[simem:s6], [sflag:s4] =	dma.local [hbm:s3], $0xF7A  }
0x26: {  	[smem:$0x3F8B] =	sst s1;
	(tag) =	ssettag s2;
	_ =	strace s9  }
0x27: {  	s1 =	sld [smem:$0x3F9B]  }
0x28: {  	s2 =	sld [smem:$0x3F9C]  }
0x29: {  	s4 =	sld [smem:$0x3F9E]  }
0x2a: {  	p0 =	seq.s32 s5, $0x0;
	s5 =	sld [smem:$0x3F9F]  }
0x2b: {  	s6 =	sld [smem:$0x3FA0]  }
0x2c: {  	s7 =	sld [smem:$0x3FA1]  }
0x2d: {  	s3 =	simm.s32 $0x108;
	s8 =	sld [smem:$0x3FA2]  }
0x2e: {  	s3 =	simm.s32 @!p0 $0x1082;
	s9 =	sld [smem:$0x3FA3]  }
0x2f: {  	lr =	sadd.s32 s0, s3;
	s0 =	sld [smem:$0x3F9A]  }
0x30: {  	s3 =	sld [smem:$0x3F9D]  }
0x31: {  	[smem:$0x3FA6] =	sst s10  }
0x32: {  	s10 =	sld [smem:$0x3FA4];
	_ =	sdelay $0x3  }
0x33: {  	p0 =	seq.s32 s10, $0x1;
	s10 =	sld [smem:$0x3FA6];
	_ =	sdelay $0x3  }
0x34: {  	[smem:$0x3FA6] =	sst s10  }
0x35: {  	s10 =	sld [smem:$0x3FA5];
	_ =	sdelay $0x3  }
0x36: {  	p1 =	seq.s32 s10, $0x1;
	s10 =	sld [smem:$0x3FA6];
	_ =	sdelay $0x3  }
0x37: {  	[smem:$0x3FA6] =	sst s10  }
0x38: {  	s10 =	sld [smem:$0x3FA7]  }
0x39: {  	_ = 	snop;
	(pc) =	sbr.ind lr, $3  }
0x3a: {  	_ = 	snop  }
0x3b: {  	_ = 	snop  }
0x3c: {  	p2 =	seq.s32 s10, $0x1;
	s10 =	sld [smem:$0x3FA6]  }
0x3d: {  	_ =	shalt  }
0x3e: {  	_ =	shalt  }
0x3f: {  	_ =	shalt  }
0x40: {  	_ =	shalt  }
0x41: {  	_ =	shalt  }
0x42: {  	_ =	shalt  }
0x43: {  	_ =	shalt  }
0x44: {  	_ =	shalt  }
0x45: {  	_ =	shalt  }
0x46: {  	_ =	shalt  }
0x47: {  	_ =	shalt  }
0x48: {  	_ =	shalt  }
0x49: {  	_ =	shalt  }
0x4a: {  	_ =	shalt  }
0x4b: {  	_ =	shalt  }
0x4c: {  	_ =	shalt  }
0x4d: {  	_ =	shalt  }
0x4e: {  	_ =	shalt  }
0x4f: {  	_ =	shalt  }
0x50: {  	_ =	shalt  }
0x51: {  	_ =	shalt  }
0x52: {  	_ =	shalt  }
0x53: {  	_ =	shalt  }
0x54: {  	_ =	shalt  }
0x55: {  	_ =	shalt  }
0x56: {  	_ =	shalt  }
0x57: {  	_ =	shalt  }
0x58: {  	_ =	shalt  }
0x59: {  	_ =	shalt  }
0x5a: {  	_ =	shalt  }
0x5b: {  	_ =	shalt  }
0x5c: {  	_ =	shalt  }
0x5d: {  	_ =	shalt  }
0x5e: {  	_ =	shalt  }
0x5f: {  	_ =	shalt  }
0x60: {  	_ =	shalt  }
0x61: {  	_ =	shalt  }
0x62: {  	_ =	shalt  }
0x63: {  	_ =	shalt  }
0x64: {  	_ =	shalt  }
0x65: {  	_ =	shalt  }
0x66: {  	_ =	shalt  }
0x67: {  	_ =	shalt  }
0x68: {  	_ =	shalt  }
0x69: {  	_ =	shalt  }
0x6a: {  	_ =	shalt  }
0x6b: {  	_ =	shalt  }
0x6c: {  	_ =	shalt  }
0x6d: {  	_ =	shalt  }
0x6e: {  	_ =	shalt  }
0x6f: {  	_ =	shalt  }
0x70: {  	_ =	shalt  }
0x71: {  	_ =	shalt  }
0x72: {  	_ =	shalt  }
0x73: {  	_ =	shalt  }
0x74: {  	_ =	shalt  }
0x75: {  	_ =	shalt  }
0x76: {  	_ =	shalt  }
0x77: {  	_ =	shalt  }
0x78: {  	_ =	shalt  }
0x79: {  	_ =	shalt  }
0x7a: {  	_ =	shalt  }
0x7b: {  	_ =	shalt  }
0x7c: {  	_ =	shalt  }
0x7d: {  	_ =	shalt  }
0x7e: {  	_ =	shalt  }
0x7f: {  	_ =	shalt  }
0x80: {  	_ =	shalt  }
0x81: {  	_ =	shalt  }
0x82: {  	_ =	shalt  }
0x83: {  	_ =	shalt  }
0x84: {  	_ =	shalt  }
0x85: {  	_ =	shalt  }
0x86: {  	_ =	shalt  }
0x87: {  	_ =	shalt  }
.Lfunc_end0:
.L_simem_size_0:
called_computation.2_lowered:
.L_overlay_start_0:
0x88: {  	s2 =	sld [smem:$0x3FD9]  }
0x89: {  	s3 =	sld [smem:$0x3FFE];
	_ =	sdelay $0x1  }
0x8a: {  	s1 =	srdreg.scid  }
0x8b: {  	s0 =	sand.u32 $0x1, s1  }
0x8c: {  	s16 =	sshll.u32 s0, $0xA;
	s2 =	sadd.s32 s3, s2  }
0x8d: {  	s2 =	sadd.s32 s2, s16  }
0x8e: {  	[smem:$0x3FB2] =	sst s2  }
0x8f: {  	_ = 	snop  }
0x90: {  	(tm) =	ssettm $0x1  }
0x91: {  	s17 =	sld [smem:$0x3FFB];
	_ =	sdelay $0x3  }
0x92: {  	_ =	strace s17  }
0x93: {  	s2 =	sld [smem:$0x3FFC];
	_ =	sdelay $0x3  }
0x94: {  	_ =	strace s2  }
0x95: {  	s2 =	sld [smem:$0x3FFD];
	_ =	sdelay $0x3  }
0x96: {  	_ =	strace s2  }
0x97: {  	_ =	strace $0x8FFFFFFF  }
0x98: {  	s18 =	sld [smem:$0x3FDB];
	_ =	sdelay $0x1  }
0x99: {  	s19 =	simm.s32 $_scs_section_size  }
0x9a: {  	s4 =	simm.s32 $_size__tile_overlayer_lowered;
	s5 =	simm.s32 $_tile_overlayer_lowered  }
0x9b: {  	s22 =	simm.s32 $0x1BFF;
	s21 =	sshll.u32 s5, $0x1;
	s2 =	sadd.s32 s19, s18  }
0x9c: {  	s6 =	simm.s32 $0x0;
	s20 =	sshll.u32 s4, $0x1;
	s4 =	sadd.s32 s21, s2  }
0x9d: {  	[timem:s6], [sflag:s22] =	dma.local [hbm:s4], s20  }
0x9e: {  	_ =	swait.ge [sflag:s22], s20  }
0x9f: {  	s3 =	ssub.s32 $0x0, s20;
	[sflag:s22] =	ssyncset.done $0x0  }
0xa0: {  	[sflag:s22] =	ssyncadd.s32 s3;
	_ =	sdelay $0x1  }
0xa1: {  	s23 =	simm.s32 $0x1B8B  }
0xa2: {  	_ =	swait.ge [sflag:s23], $0x1  }
0xa3: {  	[sflag:s23] =	ssyncset.done $0x0  }
0xa4: {  	s25 =	simm.s32 $0x1B8E;
	s24 =	sld [smem:$0x3FFE];
	[sflag:s23] =	ssyncadd.s32 $0xFFFFFFFF  }
0xa5: {  	s26 =	simm.s32 $execute0_lowered;
	[smem:$0x3FD2] =	sst s25  }
0xa6: {  	s4 =	sshll.u32 s26, $0x1;
	_ =	strace $0x8000004C;
	[dreg:$0x1] =	wrdreg $0xFFFFFFFF  }
0xa7: {  	s28 =	simm.s32 $_size_execute0_lowered;
	s2 =	sadd.s32 s2, s4;
	[dreg:$0x0] =	wrdreg $0x0  }
0xa8: {  	s4 =	sshll.u32 s28, $0x1;
	[dreg:$0x2] =	wrdreg s2  }
0xa9: {  	[dreg:$0x3] =	wrdreg s4  }
0xaa: {  	[dreg:$0x4] =	wrdreg $0xC0  }
0xab: {  	_ =	task [dreg:s6], $0x5FFFF  }
0xac: {  	[dreg:$0x1] =	wrdreg $0xFFFFFFFF  }
0xad: {  	[dreg:$0x0] =	wrdreg $0x60  }
0xae: {  	[dreg:$0x2] =	wrdreg s24  }
0xaf: {  	[dreg:$0x3] =	wrdreg $0x0  }
0xb0: {  	[dreg:$0x4] =	wrdreg $0x9  }
0xb1: {  	_ =	task.clear_ibuf [dreg:s6], $0x5FFFF;
	_ =	strace $0x9000004C  }
0xb2: {  	s29 =	simm.s32 $0x9;
	_ =	strace $0x8000004E  }
0xb3: {  	_ =	swait.ge [sflag:s29], $0x1  }
0xb4: {  	[sflag:s29] =	ssyncadd.s32 $0xFFFFFFFF  }
0xb5: {  	_ =	strace $0x9000004E  }
0xb6: {  	_ =	sfence  }
0xb7: {  	s30 =	sld [smem:$0x0];
	_ =	sdelay $0x2  }
0xb8: {  	s31 =	sshll.u32 s1, $0xD;
	s1 =	sshrl.u32 s1, $0x2  }
0xb9: {  	s3 =	sand.u32 $0x4000, s31;
	s1 =	sadd.s32 s1, s30  }
0xba: {  	s0 =	sor.u32 s3, s0;
	s1 =	sshll.u32 s1, $0x11  }
0xbb: {  	s0 =	sor.u32 s1, s0  }
0xbc: {  	s0 =	sadd.s32 $0x8F2B, s0  }
0xbd: {  	[sflag:s0] =	ssyncadd.remote.s32 $0x1  }
0xbe: {  	_ =	sfence.sel $0xFFFF  }
0xbf: {  	[dreg:$0x0] =	wrdreg $0xFFFFFFFF;
	(pc) =	sbr.abs _section_cstart, $3  }
0xc0: {  	[dreg:$0x1] =	wrdreg $0xFFFFFFFF  }
0xc1: {  	_ =	task.clear_ibuf [dreg:s6], $0x2FFFF;
	_ =	strace $0x9FFFFFFF  }
0xc2: {  	(tm) =	ssettm $0x7FFFFFFF  }
0xc3: {  	_ =	shalt  }
tec
execute0_lowered:
.L_overlay_start_1:
0x0: {  	(tag) =	ssettag $0x1  }
0x1: {  	s7 =	rddreg [dreg:$0x0]  }
0x2: {  	s2 =	rddreg [dreg:$0x1];
	s3 =	simm.s32 $0x0  }
0x3: {  	s0 =	stileid.u32;
	s9 =	srdreg.scid;
	s19 =	simm.s32 $0x3  }
0x4: {  	s20 =	simm.s32 $0xA000;
	s21 =	simm.s32 $0xF000;
	s22 =	simm.s32 $0x80  }
0x5: {  	s23 =	simm.s32 $0x13F00;
	s24 =	simm.s32 $0x15F00;
	s25 =	simm.s32 $0x1  }
0x6: {  	s26 =	simm.s32 $0x2;
	[smem:$0x7FF] =	sst s3;
	s6 =	smul.u32 $0xA00, s0  }
0x7: {  	s4 =	sadd.s32 $0x48400, s7;
	s5 =	sadd.s32 $0x34400, s7;
	s8 =	smul.u32 $0x9E0, s0  }
0x8: {  	s17 =	sand.u32 $0x1, s9;
	s31 =	smul.u32 $0xA000, s0;
	s15 =	sshll.u32 s0, $0x6  }
0x9: {  	_ =	strace $0x8000004D;
	s10 =	ssub.s32 $0x2, s17;
	p0 =	seq.s32 s17, $0x0  }
0xa: {  	s17 =	sor.u32 $0x1C03, s15;
	s13 =	sadd.s32 s6, s7;
	s14 =	sadd.s32 s8, s7  }
.Ltmp0:
0xb: {  	s6 =	sadd.s32 $0x70400, s7;
	s7 =	sadd.s32 $0x5C400, s7;
	(pc) =	sbr.rel .LBB2_1-.Ltmp0, $4  }
0xc: {  	s11 =	sshrl.u32 s10, $0x1;
	s8 =	sshrl.u32 s31, $0x3;
	s18 =	sadd.s32 s31, s2  }
0xd: {  	s16 =	ssub.s32 s10, s11;
	s9 =	sadd.s32 s5, s8;
	s10 =	sadd.s32 $0x20400, s13  }
0xe: {  	s11 =	sadd.s32 $0x4E00, s14;
	s12 =	sadd.s32 s4, s8;
	s13 =	sadd.s32 $0x2A400, s13  }
0xf: {  	s14 =	sadd.s32 $0xEC00, s14;
	s18 =	sshrl.u32 s18, $0x3;
	s16 =	smax.u32 s16, $0x1  }
.LBB2_7:
0x10: {  	s0 =	sadd.s32 $0xA080, s28;
	[sflag:s19] =	ssyncadd.s32 $0xFFFFE000  }
0x11: {  	[tilespmem:s24], [sflag:$0x2] =	stream.indirect.gather [hbm4b:s4+s22], $0x40, s0, s22, $0xb8;
	[tilespmem:$0x17F00] =	vst v63  }
0x12: {  	_ =	swait.ge [sflag:s25], $0x2000  }
0x13: {  	[sflag:s25] =	ssyncset.done $0x0  }
0x14: {  	s1 =	sadd.s32 $0xF000, s28;
	[sflag:s25] =	ssyncadd.s32 $0xFFFFE000  }
0x15: {  	[spmem:s2] =	stream.indirect.scatter.add.f32 [tilespmem:s23], [sflag:$0x3], $0x40, s1, s22, $0xb8;
	[tilespmem:$0x17F00] =	vst v63  }
0x16: {  	_ =	swait.ge [sflag:s19], $0x2000  }
0x17: {  	[sflag:s19] =	ssyncset.done $0x0  }
0x18: {  	s30 =	sadd.s32 $0xA100, s28;
	[sflag:s19] =	ssyncadd.s32 $0xFFFFE000  }
0x19: {  	[tilespmem:s23], [sflag:$0x1] =	stream.indirect.gather [hbm4b:s4+s22], $0x40, s30, s22, $0xb8;
	[tilespmem:$0x17F00] =	vst v63  }
0x1a: {  	_ =	swait.ge [sflag:s26], $0x2000  }
0x1b: {  	[sflag:s26] =	ssyncset.done $0x0  }
0x1c: {  	s31 =	sadd.s32 $0xF080, s28;
	[sflag:s26] =	ssyncadd.s32 $0xFFFFE000  }
0x1d: {  	[spmem:s2] =	stream.indirect.scatter.add.f32 [tilespmem:s24], [sflag:$0x3], $0x40, s31, s22, $0xb8;
	[tilespmem:$0x17F00] =	vst v63  }
0x1e: {  	_ =	swait.ge [sflag:s19], $0x2000  }
0x1f: {  	[sflag:s19] =	ssyncset.done $0x0  }
0x20: {  	s29 =	smov.u32 s6;
	s28 =	smov.u32 s17;
	[sflag:s19] =	ssyncadd.s32 $0xFFFFE000  }
.LBB2_8:
0x21: {  	_ =	swait.ge [sflag:s25], $0x2000  }
0x22: {  	s3 =	sadd.s32 $0x1, s3;
	[sflag:s25] =	ssyncset.done $0x0  }
0x23: {  	p1 =	sne.s32 s3, s16;
	[sflag:s25] =	ssyncadd.s32 $0xFFFFE000  }
.Ltmp1:
0x24: {  	s0 =	sadd.s32 s29, s8;
	[bflag:$0x0] =	sbarrier.arrive $0xFFFF;
	(pc) =	sbr.rel @!p1 .LBB2_9-.Ltmp1, $4  }
0x25: {  	[hbm:s0], [sflag:s28] =	dma.local [spmem:s18], $0x1400  }
0x26: {  	_ =	swait.ge [sflag:s19], $0x1400  }
0x27: {  	[sflag:s19] =	ssyncset.done $0x0  }
0x28: {  	[sflag:s19] =	ssyncadd.s32 $0xFFFFEC00  }
.LBB2_1:
.Ltmp2:
0x29: {  	(pc) =	sbr.rel @!p0 .LBB2_2-.Ltmp2, $1  }
0x2a: {  	_ =	sdelay $0x3  }
0x2b: {  	[spmem:s18], [sflag:s17] =	dma.local [hbm:s12], $0x1400  }
0x2c: {  	_ =	swait.ge [sflag:s19], $0x1400  }
0x2d: {  	[sflag:s19] =	ssyncset.done $0x0  }
0x2e: {  	s28 =	simm.s32 $0x0;
	[sflag:s19] =	ssyncadd.s32 $0xFFFFEC00  }
0x2f: {  	[tilespmem:s20], [sflag:$0x3] =	stream.linear.gather [hbm4b:s13+s28], $0x5000, $0x38;
	[tilespmem:$0x17F00] =	vst v63  }
0x30: {  	_ =	swait.ge [sflag:s19], $0x5000  }
0x31: {  	[sflag:s19] =	ssyncset.done $0x0  }
0x32: {  	[sflag:s19] =	ssyncadd.s32 $0xFFFFB000  }
0x33: {  	[tilespmem:s21], [sflag:$0x3] =	stream.linear.gather [hbm4b:s14+s28], $0x4F00, $0x38;
	[tilespmem:$0x17F00] =	vst v63  }
0x34: {  	_ =	swait.ge [sflag:s19], $0x4F00  }
0x35: {  	[sflag:s19] =	ssyncset.done $0x0  }
0x36: {  	[sflag:s19] =	ssyncadd.s32 $0xFFFFB100  }
0x37: {  	[bflag:$0x0] =	sbarrier.arrive $0xFFFF  }
0x38: {  	[tilespmem:s23], [sflag:$0x1] =	stream.indirect.gather [hbm4b:s4+s22], $0x40, s20, s22, $0xb8;
	[tilespmem:$0x17F00] =	vst v63  }
0x39: {  	s28 =	simm.s32 $0xA080  }
0x3a: {  	[tilespmem:s24], [sflag:$0x2] =	stream.indirect.gather [hbm4b:s4+s22], $0x40, s28, s22, $0xb8;
	[tilespmem:$0x17F00] =	vst v63  }
0x3b: {  	_ =	swait.ge [sflag:s25], $0x2000  }
0x3c: {  	[sflag:s25] =	ssyncset.done $0x0  }
0x3d: {  	s28 =	simm.s32 $0xF000;
	[sflag:s25] =	ssyncadd.s32 $0xFFFFE000  }
0x3e: {  	[spmem:s2] =	stream.indirect.scatter.add.f32 [tilespmem:s23], [sflag:$0x3], $0x40, s28, s22, $0xb8;
	[tilespmem:$0x17F00] =	vst v63  }
0x3f: {  	_ =	swait.ge [sflag:s19], $0x2000  }
0x40: {  	[sflag:s19] =	ssyncset.done $0x0  }
0x41: {  	s28 =	simm.s32 $0xA100;
	[sflag:s19] =	ssyncadd.s32 $0xFFFFE000  }
0x42: {  	[tilespmem:s23], [sflag:$0x1] =	stream.indirect.gather [hbm4b:s4+s22], $0x40, s28, s22, $0xb8;
	[tilespmem:$0x17F00] =	vst v63  }
0x43: {  	_ =	swait.ge [sflag:s26], $0x2000  }
0x44: {  	[sflag:s26] =	ssyncset.done $0x0  }
0x45: {  	s28 =	simm.s32 $0xF080;
	[sflag:s26] =	ssyncadd.s32 $0xFFFFE000  }
0x46: {  	[spmem:s2] =	stream.indirect.scatter.add.f32 [tilespmem:s24], [sflag:$0x3], $0x40, s28, s22, $0xb8;
	[tilespmem:$0x17F00] =	vst v63  }
0x47: {  	_ =	swait.ge [sflag:s19], $0x2000  }
0x48: {  	s29 =	simm.s32 $0x800;
	s28 =	simm.s32 $0x100;
	[sflag:s19] =	ssyncset.done $0x0  }
.LBB2_6:
0x49: {  	s30 =	sadd.s32 $0xA080, s28  }
0x4a: {  	[sflag:s19] =	ssyncadd.s32 $0xFFFFE000;
	s31 =	smov.u32 s29;
	s0 =	sadd.s32 $0x400, s29  }
0x4b: {  	[tilespmem:s24], [sflag:$0x2] =	stream.indirect.gather [hbm4b:s4+s22], $0x40, s30, s22, $0xb8;
	[tilespmem:$0x17F00] =	vst v63  }
0x4c: {  	p1 =	seq.s32 s29, $0x13800;
	_ =	swait.ge [sflag:s25], $0x2000  }
0x4d: {  	[sflag:s25] =	ssyncset.done $0x0  }
0x4e: {  	s29 =	sadd.s32 $0xF000, s28;
	[sflag:s25] =	ssyncadd.s32 $0xFFFFE000  }
0x4f: {  	[spmem:s2] =	stream.indirect.scatter.add.f32 [tilespmem:s23], [sflag:$0x3], $0x40, s29, s22, $0xb8;
	[tilespmem:$0x17F00] =	vst v63  }
0x50: {  	_ =	swait.ge [sflag:s19], $0x2000  }
0x51: {  	[sflag:s19] =	ssyncset.done $0x0  }
0x52: {  	s29 =	sadd.s32 $0xA100, s28;
	[sflag:s19] =	ssyncadd.s32 $0xFFFFE000  }
0x53: {  	[tilespmem:s23], [sflag:$0x1] =	stream.indirect.gather [hbm4b:s4+s22], $0x40, s29, s22, $0xb8;
	[tilespmem:$0x17F00] =	vst v63  }
0x54: {  	_ =	swait.ge [sflag:s26], $0x2000  }
.Ltmp3:
0x55: {  	[sflag:s26] =	ssyncset.done $0x0;
	(pc) =	sbr.rel @!p1 .LBB2_6-.Ltmp3, $4  }
0x56: {  	s28 =	sadd.s32 $0xF080, s28;
	[sflag:s26] =	ssyncadd.s32 $0xFFFFE000  }
0x57: {  	[spmem:s2] =	stream.indirect.scatter.add.f32 [tilespmem:s24], [sflag:$0x3], $0x40, s28, s22, $0xb8;
	[tilespmem:$0x17F00] =	vst v63  }
0x58: {  	_ =	swait.ge [sflag:s19], $0x2000  }
0x59: {  	s29 =	smov.u32 s0;
	s28 =	sshra.s32 s31, $0x2;
	[sflag:s19] =	ssyncset.done $0x0  }
.Ltmp4:
0x5a: {  	_ = 	snop;
	(pc) =	sbr.rel .LBB2_7-.Ltmp4, $1  }
0x5b: {  	_ =	sdelay $0x3  }
.LBB2_2:
0x5c: {  	s28 =	sor.u32 $0x1C03, s15  }
0x5d: {  	[spmem:s18], [sflag:s28] =	dma.local [hbm:s9], $0x1400  }
0x5e: {  	_ =	swait.ge [sflag:s19], $0x1400  }
0x5f: {  	[sflag:s19] =	ssyncset.done $0x0  }
0x60: {  	s29 =	simm.s32 $0x0;
	[sflag:s19] =	ssyncadd.s32 $0xFFFFEC00  }
0x61: {  	[tilespmem:s20], [sflag:$0x3] =	stream.linear.gather [hbm4b:s10+s29], $0x5000, $0x38;
	[tilespmem:$0x17F00] =	vst v63  }
0x62: {  	_ =	swait.ge [sflag:s19], $0x5000  }
0x63: {  	[sflag:s19] =	ssyncset.done $0x0  }
0x64: {  	[sflag:s19] =	ssyncadd.s32 $0xFFFFB000  }
0x65: {  	[tilespmem:s21], [sflag:$0x3] =	stream.linear.gather [hbm4b:s11+s29], $0x4F00, $0x38;
	[tilespmem:$0x17F00] =	vst v63  }
0x66: {  	_ =	swait.ge [sflag:s19], $0x4F00  }
0x67: {  	[sflag:s19] =	ssyncset.done $0x0  }
0x68: {  	[sflag:s19] =	ssyncadd.s32 $0xFFFFB100  }
0x69: {  	[bflag:$0x0] =	sbarrier.arrive $0xFFFF  }
0x6a: {  	[tilespmem:s23], [sflag:$0x1] =	stream.indirect.gather [hbm4b:s5+s22], $0x40, s20, s22, $0xb8;
	[tilespmem:$0x17F00] =	vst v63  }
0x6b: {  	s0 =	simm.s32 $0xA080  }
0x6c: {  	[tilespmem:s24], [sflag:$0x2] =	stream.indirect.gather [hbm4b:s5+s22], $0x40, s0, s22, $0xb8;
	[tilespmem:$0x17F00] =	vst v63  }
0x6d: {  	_ =	swait.ge [sflag:s25], $0x2000  }
0x6e: {  	[sflag:s25] =	ssyncset.done $0x0  }
0x6f: {  	s31 =	simm.s32 $0xF000;
	[sflag:s25] =	ssyncadd.s32 $0xFFFFE000  }
0x70: {  	[spmem:s2] =	stream.indirect.scatter.add.f32 [tilespmem:s23], [sflag:$0x3], $0x40, s31, s22, $0xb8;
	[tilespmem:$0x17F00] =	vst v63  }
0x71: {  	_ =	swait.ge [sflag:s19], $0x2000  }
0x72: {  	[sflag:s19] =	ssyncset.done $0x0  }
0x73: {  	s1 =	simm.s32 $0xA100;
	[sflag:s19] =	ssyncadd.s32 $0xFFFFE000  }
0x74: {  	[tilespmem:s23], [sflag:$0x1] =	stream.indirect.gather [hbm4b:s5+s22], $0x40, s1, s22, $0xb8;
	[tilespmem:$0x17F00] =	vst v63  }
0x75: {  	_ =	swait.ge [sflag:s26], $0x2000  }
0x76: {  	[sflag:s26] =	ssyncset.done $0x0  }
0x77: {  	s31 =	simm.s32 $0xF080;
	[sflag:s26] =	ssyncadd.s32 $0xFFFFE000  }
0x78: {  	[spmem:s2] =	stream.indirect.scatter.add.f32 [tilespmem:s24], [sflag:$0x3], $0x40, s31, s22, $0xb8;
	[tilespmem:$0x17F00] =	vst v63  }
0x79: {  	_ =	swait.ge [sflag:s19], $0x2000  }
0x7a: {  	s30 =	simm.s32 $0x800;
	s29 =	simm.s32 $0x100;
	[sflag:s19] =	ssyncset.done $0x0  }
.LBB2_3:
0x7b: {  	s0 =	sadd.s32 $0xA080, s29  }
0x7c: {  	[sflag:s19] =	ssyncadd.s32 $0xFFFFE000;
	s31 =	smov.u32 s30;
	s1 =	sadd.s32 $0x400, s30  }
0x7d: {  	[tilespmem:s24], [sflag:$0x2] =	stream.indirect.gather [hbm4b:s5+s22], $0x40, s0, s22, $0xb8;
	[tilespmem:$0x17F00] =	vst v63  }
0x7e: {  	p1 =	sne.s32 s30, $0x13800;
	_ =	swait.ge [sflag:s25], $0x2000  }
0x7f: {  	[sflag:s25] =	ssyncset.done $0x0  }
0x80: {  	s0 =	sadd.s32 $0xF000, s29;
	[sflag:s25] =	ssyncadd.s32 $0xFFFFE000  }
0x81: {  	[spmem:s2] =	stream.indirect.scatter.add.f32 [tilespmem:s23], [sflag:$0x3], $0x40, s0, s22, $0xb8;
	[tilespmem:$0x17F00] =	vst v63  }
0x82: {  	_ =	swait.ge [sflag:s19], $0x2000  }
0x83: {  	[sflag:s19] =	ssyncset.done $0x0  }
0x84: {  	s0 =	sadd.s32 $0xA100, s29;
	[sflag:s19] =	ssyncadd.s32 $0xFFFFE000  }
0x85: {  	[tilespmem:s23], [sflag:$0x1] =	stream.indirect.gather [hbm4b:s5+s22], $0x40, s0, s22, $0xb8;
	[tilespmem:$0x17F00] =	vst v63  }
0x86: {  	_ =	swait.ge [sflag:s26], $0x2000  }
.Ltmp5:
0x87: {  	[sflag:s26] =	ssyncset.done $0x0;
	(pc) =	sbr.rel @p1 .LBB2_3-.Ltmp5, $4  }
0x88: {  	s0 =	sadd.s32 $0xF080, s29;
	[sflag:s26] =	ssyncadd.s32 $0xFFFFE000  }
0x89: {  	[spmem:s2] =	stream.indirect.scatter.add.f32 [tilespmem:s24], [sflag:$0x3], $0x40, s0, s22, $0xb8;
	[tilespmem:$0x17F00] =	vst v63  }
0x8a: {  	_ =	swait.ge [sflag:s19], $0x2000  }
0x8b: {  	s30 =	smov.u32 s1;
	s29 =	sshra.s32 s31, $0x2;
	[sflag:s19] =	ssyncset.done $0x0  }
0x8c: {  	s0 =	sadd.s32 $0xA080, s29;
	[sflag:s19] =	ssyncadd.s32 $0xFFFFE000  }
0x8d: {  	[tilespmem:s24], [sflag:$0x2] =	stream.indirect.gather [hbm4b:s5+s22], $0x40, s0, s22, $0xb8;
	[tilespmem:$0x17F00] =	vst v63  }
0x8e: {  	_ =	swait.ge [sflag:s25], $0x2000  }
0x8f: {  	[sflag:s25] =	ssyncset.done $0x0  }
0x90: {  	s1 =	sadd.s32 $0xF000, s29;
	[sflag:s25] =	ssyncadd.s32 $0xFFFFE000  }
0x91: {  	[spmem:s2] =	stream.indirect.scatter.add.f32 [tilespmem:s23], [sflag:$0x3], $0x40, s1, s22, $0xb8;
	[tilespmem:$0x17F00] =	vst v63  }
0x92: {  	_ =	swait.ge [sflag:s19], $0x2000  }
0x93: {  	[sflag:s19] =	ssyncset.done $0x0  }
0x94: {  	s30 =	sadd.s32 $0xA100, s29;
	[sflag:s19] =	ssyncadd.s32 $0xFFFFE000  }
0x95: {  	[tilespmem:s23], [sflag:$0x1] =	stream.indirect.gather [hbm4b:s5+s22], $0x40, s30, s22, $0xb8;
	[tilespmem:$0x17F00] =	vst v63  }
0x96: {  	_ =	swait.ge [sflag:s26], $0x2000  }
0x97: {  	[sflag:s26] =	ssyncset.done $0x0  }
.Ltmp6:
0x98: {  	s31 =	sadd.s32 $0xF080, s29;
	[sflag:s26] =	ssyncadd.s32 $0xFFFFE000;
	(pc) =	sbr.rel .LBB2_8-.Ltmp6, $4  }
0x99: {  	[spmem:s2] =	stream.indirect.scatter.add.f32 [tilespmem:s24], [sflag:$0x3], $0x40, s31, s22, $0xb8;
	[tilespmem:$0x17F00] =	vst v63  }
0x9a: {  	_ =	swait.ge [sflag:s19], $0x2000  }
0x9b: {  	[sflag:s19] =	ssyncset.done $0x0  }
0x9c: {  	s29 =	smov.u32 s7;
	[sflag:s19] =	ssyncadd.s32 $0xFFFFE000  }
.LBB2_9:
0x9d: {  	_ =	sfence.sel $0x180000  }
0x9e: {  	[bflag:$0x0] =	sbarrier.arrive $0xFFFF  }
0x9f: {  	_ =	strace $0x9000004D  }
0xa0: {  	s0 =	stileid.u32;
	[bflag:$0x2] =	sbarrier.arrive $0xFFFF  }
0xa1: {  	p0 =	sne.s32 s0, $0x0;
	s0 =	rddreg [dreg:$0x2]  }
0xa2: {  	s0 =	sadd.s32 @!p0 $0x100000, s0  }
0xa3: {  	[sflag:s0] =	ssyncadd.tile.s32 @!p0 $0x1;
	_ =	shalt  }
.Lfunc_end2:
_tile_overlayer_lowered:
.L_overlay_start_2:
0xa4: {  	(tag) =	ssettag $0x2  }
0xa5: {  	s0 =	rddreg [dreg:$0x0];
	s2 =	stileid.u32  }
0xa6: {  	s1 =	rddreg [dreg:$0x1];
	p0 =	sne.s32 s2, $0x0  }
0xa7: {  	s3 =	rddreg [dreg:$0x2];
	[bflag:$0x3] =	sbarrier.arrive $0xFFFF;
	s2 =	simm.s32 @!p0 $0x1C03  }
0xa8: {  	[timem:s3], [sflag:s2] =	dma.local @!p0 [hbm:s0], s1  }
0xa9: {  	s0 =	simm.s32 @!p0 $0x3  }
0xaa: {  	_ =	swait.ge @!p0 [sflag:s0], s1  }
0xab: {  	s1 =	ssub.s32 @!p0 $0x0, s1;
	[sflag:s0] =	ssyncset.done @!p0 $0x0  }
0xac: {  	[sflag:s0] =	ssyncadd.s32 @!p0 s1  }
0xad: {  	[bflag:$0x3] =	sbarrier.arrive $0xFFFF  }
0xae: {  	_ =	shalt  }

// kernel: kernel.8.cloned.1.call-start
scs
__scs_entry_jumppad:
0x0: {  	(pc) =	sbr.rel $0x88, $3  }
0x1: {  	(tag) =	ssettag $0x0;
	lr =	simm.s32 $0x1  }
0x2: {  	[smem:$0x3F8B] =	sst lr;
	_ =	strace $0xD0000000  }
0x3: {  	_ = 	snop  }
0x4: {  	_ = 	snop  }
0x5: {  	_ = 	snop  }
0x6: {  	_ = 	snop  }
0x7: {  	_ = 	snop  }
__scs_overlays_trampoline_lowered:
0x8: {  	[smem:$0x3F9A] =	sst s0  }
0x9: {  	[smem:$0x3F9B] =	sst s1  }
0xa: {  	[smem:$0x3F9C] =	sst s2  }
0xb: {  	[smem:$0x3F9D] =	sst s3  }
0xc: {  	[smem:$0x3F9E] =	sst s4  }
0xd: {  	[smem:$0x3F9F] =	sst s5  }
0xe: {  	[smem:$0x3FA0] =	sst s6  }
0xf: {  	[smem:$0x3FA1] =	sst s7  }
0x10: {  	[smem:$0x3FA2] =	sst s8  }
0x11: {  	[smem:$0x3FA3] =	sst s9;
	s0 =	simm.s32 @!p0 $0x0  }
0x12: {  	s1 =	sld [smem:$0x3F89];
	s0 =	simm.s32 @p0 $0x1  }
0x13: {  	[smem:$0x3FA4] =	sst s0;
	s0 =	simm.s32 @!p1 $0x0  }
0x14: {  	s2 =	sld [smem:$0x3F88];
	s0 =	simm.s32 @p1 $0x1  }
0x15: {  	[smem:$0x3FA5] =	sst s0;
	s0 =	simm.s32 @!p2 $0x0  }
0x16: {  	s3 =	sld [smem:$0x3FDB];
	s0 =	simm.s32 @p2 $0x1  }
0x17: {  	s4 =	simm.s32 $0x1BF5;
	[smem:$0x3FA7] =	sst s0  }
0x18: {  	s0 =	sld [smem:$0x3F8A];
	_ =	swait.ge [sflag:s4], $0x0  }
0x19: {  	s7 =	sld [smem:$0x3F8B]  }
0x1a: {  	s8 =	sadd.s32 $0xFFFFE003, lr  }
0x1b: {  	s9 =	sadd.s32 $0xFFFFFEF7, lr;
	s5 =	simm.s32 $0xFFFFFFFF;
	p2 =	slt.u32 s8, $0xFFFFF086  }
0x1c: {  	p1 =	slt.u32 s9, $0xF7A;
	s5 =	simm.s32 @!p2 $0x0  }
0x1d: {  	s5 =	simm.s32 @p1 $0x1;
	p0 =	seq.s32 s7, s2  }
0x1e: {  	s7 =	smul.u32 @!p0 $0xF7A, s2;
	p2 =	seq.s32 @!p0 s5, $0x0  }
0x1f: {  	s9 =	smul.u32 $0xF7A, s1;
	s8 =	simm.s32 @!p0 $0x1BF5;
	p2 =	por !p2, p0  }
0x20: {  	[sflag:s8] =	ssyncset.s32 @!p0 $0xFFFFF086;
	s6 =	sadd.s32 @!p0 s3, s7;
	s7 =	simm.s32 @!p0 $0x108  }
0x21: {  	s3 =	sadd.s32 s3, s9;
	s6 =	sadd.s32 @!p0 $0x88, s6;
	s7 =	simm.s32 @p2 $0x1082  }
0x22: {  	[simem:s7], [sflag:s8] =	dma.local @!p0 [hbm:s6], $0xF7A  }
0x23: {  	s9 =	sor.u32 $0xD0000000, s2;
	s6 =	simm.s32 $0x108;
	_ =	swait.ge @!p0 [sflag:s8], $0x0  }
0x24: {  	s3 =	sadd.s32 $0x88, s3;
	s6 =	simm.s32 @!p1 $0x1082;
	[sflag:s4] =	ssyncset.s32 $0xFFFFF086  }
0x25: {  	[simem:s6], [sflag:s4] =	dma.local [hbm:s3], $0xF7A  }
0x26: {  	[smem:$0x3F8B] =	sst s1;
	(tag) =	ssettag s2;
	_ =	strace s9  }
0x27: {  	s1 =	sld [smem:$0x3F9B]  }
0x28: {  	s2 =	sld [smem:$0x3F9C]  }
0x29: {  	s4 =	sld [smem:$0x3F9E]  }
0x2a: {  	p0 =	seq.s32 s5, $0x0;
	s5 =	sld [smem:$0x3F9F]  }
0x2b: {  	s6 =	sld [smem:$0x3FA0]  }
0x2c: {  	s7 =	sld [smem:$0x3FA1]  }
0x2d: {  	s3 =	simm.s32 $0x108;
	s8 =	sld [smem:$0x3FA2]  }
0x2e: {  	s3 =	simm.s32 @!p0 $0x1082;
	s9 =	sld [smem:$0x3FA3]  }
0x2f: {  	lr =	sadd.s32 s0, s3;
	s0 =	sld [smem:$0x3F9A]  }
0x30: {  	s3 =	sld [smem:$0x3F9D]  }
0x31: {  	[smem:$0x3FA6] =	sst s10  }
0x32: {  	s10 =	sld [smem:$0x3FA4];
	_ =	sdelay $0x3  }
0x33: {  	p0 =	seq.s32 s10, $0x1;
	s10 =	sld [smem:$0x3FA6];
	_ =	sdelay $0x3  }
0x34: {  	[smem:$0x3FA6] =	sst s10  }
0x35: {  	s10 =	sld [smem:$0x3FA5];
	_ =	sdelay $0x3  }
0x36: {  	p1 =	seq.s32 s10, $0x1;
	s10 =	sld [smem:$0x3FA6];
	_ =	sdelay $0x3  }
0x37: {  	[smem:$0x3FA6] =	sst s10  }
0x38: {  	s10 =	sld [smem:$0x3FA7]  }
0x39: {  	_ = 	snop;
	(pc) =	sbr.ind lr, $3  }
0x3a: {  	_ = 	snop  }
0x3b: {  	_ = 	snop  }
0x3c: {  	p2 =	seq.s32 s10, $0x1;
	s10 =	sld [smem:$0x3FA6]  }
0x3d: {  	_ =	shalt  }
0x3e: {  	_ =	shalt  }
0x3f: {  	_ =	shalt  }
0x40: {  	_ =	shalt  }
0x41: {  	_ =	shalt  }
0x42: {  	_ =	shalt  }
0x43: {  	_ =	shalt  }
0x44: {  	_ =	shalt  }
0x45: {  	_ =	shalt  }
0x46: {  	_ =	shalt  }
0x47: {  	_ =	shalt  }
0x48: {  	_ =	shalt  }
0x49: {  	_ =	shalt  }
0x4a: {  	_ =	shalt  }
0x4b: {  	_ =	shalt  }
0x4c: {  	_ =	shalt  }
0x4d: {  	_ =	shalt  }
0x4e: {  	_ =	shalt  }
0x4f: {  	_ =	shalt  }
0x50: {  	_ =	shalt  }
0x51: {  	_ =	shalt  }
0x52: {  	_ =	shalt  }
0x53: {  	_ =	shalt  }
0x54: {  	_ =	shalt  }
0x55: {  	_ =	shalt  }
0x56: {  	_ =	shalt  }
0x57: {  	_ =	shalt  }
0x58: {  	_ =	shalt  }
0x59: {  	_ =	shalt  }
0x5a: {  	_ =	shalt  }
0x5b: {  	_ =	shalt  }
0x5c: {  	_ =	shalt  }
0x5d: {  	_ =	shalt  }
0x5e: {  	_ =	shalt  }
0x5f: {  	_ =	shalt  }
0x60: {  	_ =	shalt  }
0x61: {  	_ =	shalt  }
0x62: {  	_ =	shalt  }
0x63: {  	_ =	shalt  }
0x64: {  	_ =	shalt  }
0x65: {  	_ =	shalt  }
0x66: {  	_ =	shalt  }
0x67: {  	_ =	shalt  }
0x68: {  	_ =	shalt  }
0x69: {  	_ =	shalt  }
0x6a: {  	_ =	shalt  }
0x6b: {  	_ =	shalt  }
0x6c: {  	_ =	shalt  }
0x6d: {  	_ =	shalt  }
0x6e: {  	_ =	shalt  }
0x6f: {  	_ =	shalt  }
0x70: {  	_ =	shalt  }
0x71: {  	_ =	shalt  }
0x72: {  	_ =	shalt  }
0x73: {  	_ =	shalt  }
0x74: {  	_ =	shalt  }
0x75: {  	_ =	shalt  }
0x76: {  	_ =	shalt  }
0x77: {  	_ =	shalt  }
0x78: {  	_ =	shalt  }
0x79: {  	_ =	shalt  }
0x7a: {  	_ =	shalt  }
0x7b: {  	_ =	shalt  }
0x7c: {  	_ =	shalt  }
0x7d: {  	_ =	shalt  }
0x7e: {  	_ =	shalt  }
0x7f: {  	_ =	shalt  }
0x80: {  	_ =	shalt  }
0x81: {  	_ =	shalt  }
0x82: {  	_ =	shalt  }
0x83: {  	_ =	shalt  }
0x84: {  	_ =	shalt  }
0x85: {  	_ =	shalt  }
0x86: {  	_ =	shalt  }
0x87: {  	_ =	shalt  }
.Lfunc_end0:
.L_simem_size_0:
called_computation_lowered:
.L_overlay_start_0:
0x88: {  	s2 =	sld [smem:$0x3FD9]  }
0x89: {  	s3 =	sld [smem:$0x3FFE];
	_ =	sdelay $0x1  }
0x8a: {  	s1 =	srdreg.scid  }
0x8b: {  	s0 =	sand.u32 $0x1, s1  }
0x8c: {  	s16 =	sshll.u32 s0, $0xA;
	s2 =	sadd.s32 s3, s2  }
0x8d: {  	s2 =	sadd.s32 s2, s16  }
0x8e: {  	[smem:$0x3FB2] =	sst s2  }
0x8f: {  	_ = 	snop  }
0x90: {  	(tm) =	ssettm $0x1  }
0x91: {  	s17 =	sld [smem:$0x3FFB];
	_ =	sdelay $0x3  }
0x92: {  	_ =	strace s17  }
0x93: {  	s2 =	sld [smem:$0x3FFC];
	_ =	sdelay $0x3  }
0x94: {  	_ =	strace s2  }
0x95: {  	s2 =	sld [smem:$0x3FFD];
	_ =	sdelay $0x3  }
0x96: {  	_ =	strace s2  }
0x97: {  	_ =	strace $0x8FFFFFFF  }
0x98: {  	s18 =	sld [smem:$0x3FDB];
	_ =	sdelay $0x1  }
0x99: {  	s19 =	simm.s32 $_scs_section_size  }
0x9a: {  	s4 =	simm.s32 $_size__tile_overlayer_lowered;
	s5 =	simm.s32 $_tile_overlayer_lowered  }
0x9b: {  	s22 =	simm.s32 $0x1BFF;
	s21 =	sshll.u32 s5, $0x1;
	s2 =	sadd.s32 s19, s18  }
0x9c: {  	s6 =	simm.s32 $0x0;
	s20 =	sshll.u32 s4, $0x1;
	s4 =	sadd.s32 s21, s2  }
0x9d: {  	[timem:s6], [sflag:s22] =	dma.local [hbm:s4], s20  }
0x9e: {  	_ =	swait.ge [sflag:s22], s20  }
0x9f: {  	s3 =	ssub.s32 $0x0, s20;
	[sflag:s22] =	ssyncset.done $0x0  }
0xa0: {  	[sflag:s22] =	ssyncadd.s32 s3;
	_ =	sdelay $0x1  }
0xa1: {  	s23 =	simm.s32 $0x1B8B  }
0xa2: {  	_ =	swait.ge [sflag:s23], $0x1  }
0xa3: {  	[sflag:s23] =	ssyncset.done $0x0  }
0xa4: {  	s25 =	simm.s32 $0x1B8E;
	s24 =	sld [smem:$0x3FFE];
	[sflag:s23] =	ssyncadd.s32 $0xFFFFFFFF  }
0xa5: {  	s26 =	simm.s32 $execute0_lowered;
	[smem:$0x3FD2] =	sst s25  }
0xa6: {  	s4 =	sshll.u32 s26, $0x1;
	_ =	strace $0x80000046;
	[dreg:$0x1] =	wrdreg $0xFFFFFFFF  }
0xa7: {  	s28 =	simm.s32 $_size_execute0_lowered;
	s2 =	sadd.s32 s2, s4;
	[dreg:$0x0] =	wrdreg $0x0  }
0xa8: {  	s4 =	sshll.u32 s28, $0x1;
	[dreg:$0x2] =	wrdreg s2  }
0xa9: {  	[dreg:$0x3] =	wrdreg s4  }
0xaa: {  	[dreg:$0x4] =	wrdreg $0xC0  }
0xab: {  	_ =	task [dreg:s6], $0x5FFFF  }
0xac: {  	[dreg:$0x1] =	wrdreg $0xFFFFFFFF  }
0xad: {  	[dreg:$0x0] =	wrdreg $0x60  }
0xae: {  	[dreg:$0x2] =	wrdreg s24  }
0xaf: {  	[dreg:$0x3] =	wrdreg $0x0  }
0xb0: {  	[dreg:$0x4] =	wrdreg $0x9  }
0xb1: {  	_ =	task.clear_ibuf [dreg:s6], $0x5FFFF;
	_ =	strace $0x90000046  }
0xb2: {  	s29 =	simm.s32 $0x9;
	_ =	strace $0x80000048  }
0xb3: {  	_ =	swait.ge [sflag:s29], $0x1  }
0xb4: {  	[sflag:s29] =	ssyncadd.s32 $0xFFFFFFFF  }
0xb5: {  	_ =	strace $0x90000048  }
0xb6: {  	_ =	sfence  }
0xb7: {  	s30 =	sld [smem:$0x0];
	_ =	sdelay $0x2  }
0xb8: {  	s31 =	sshll.u32 s1, $0xD;
	s1 =	sshrl.u32 s1, $0x2  }
0xb9: {  	s3 =	sand.u32 $0x4000, s31;
	s1 =	sadd.s32 s1, s30  }
0xba: {  	s0 =	sor.u32 s3, s0;
	s1 =	sshll.u32 s1, $0x11  }
0xbb: {  	s0 =	sor.u32 s1, s0  }
0xbc: {  	s0 =	sadd.s32 $0x8F2B, s0  }
0xbd: {  	[sflag:s0] =	ssyncadd.remote.s32 $0x1  }
0xbe: {  	_ =	sfence.sel $0xFFFF  }
0xbf: {  	[dreg:$0x0] =	wrdreg $0xFFFFFFFF;
	(pc) =	sbr.abs _section_cstart, $3  }
0xc0: {  	[dreg:$0x1] =	wrdreg $0xFFFFFFFF  }
0xc1: {  	_ =	task.clear_ibuf [dreg:s6], $0x2FFFF;
	_ =	strace $0x9FFFFFFF  }
0xc2: {  	(tm) =	ssettm $0x7FFFFFFF  }
0xc3: {  	_ =	shalt  }
tec
execute0_lowered:
.L_overlay_start_1:
0x0: {  	(tag) =	ssettag $0x1  }
0x1: {  	s5 =	rddreg [dreg:$0x0]  }
0x2: {  	s2 =	rddreg [dreg:$0x1]  }
0x3: {  	s0 =	rddreg [dreg:$0x2];
	s3 =	simm.s32 $0x0;
	s1 =	stileid.u32  }
0x4: {  	s4 =	srdreg.scid;
	[smem:$0x7FF] =	sst s3  }
0x5: {  	s6 =	smul.u32 $0x1400, s1;
	s7 =	sadd.s32 $0xEC00, s5;
	s8 =	sadd.s32 $0x4E00, s5  }
0x6: {  	s10 =	sand.u32 $0x1, s4;
	s4 =	sadd.s32 $0x1B200, s5;
	s13 =	sadd.s32 $0x1DC00, s5  }
0x7: {  	s14 =	sadd.s32 $0x1B400, s5;
	s30 =	sshll.u32 s1, $0x6;
	s31 =	smul.u32 $0x9E0, s1  }
0x8: {  	_ =	strace $0x80000047;
	s12 =	ssub.s32 $0x2, s10;
	p0 =	seq.s32 s10, $0x0  }
0x9: {  	s9 =	sshrl.u32 s6, $0x3;
	s29 =	sshrl.u32 s12, $0x1;
	s15 =	sadd.s32 s6, s2  }
0xa: {  	s6 =	sor.u32 $0x1C01, s30;
	s8 =	smov.u32 @p0 s7;
	s14 =	smov.u32 @p0 s13  }
0xb: {  	s13 =	simm.s32 $0x1400;
	s11 =	sadd.s32 s9, s5;
	s12 =	ssub.s32 s12, s29  }
0xc: {  	s8 =	sadd.s32 s8, s31;
	s9 =	sadd.s32 s14, s9;
	s10 =	sshrl.u32 s15, $0x3  }
0xd: {  	s14 =	simm.s32 $0x80;
	s15 =	simm.s32 $0x0;
	s5 =	sadd.s32 $0x18A00, s11  }
0xe: {  	s7 =	smax.u32 s12, $0x1;
	s11 =	simm.s32 $0x1;
	s12 =	simm.s32 $0x6300  }
.LBB2_1:
0xf: {  	[spmem:s10], [sflag:s6] =	dma.local [hbm:s5], $0x280  }
0x10: {  	_ =	swait.ge [sflag:s11], $0x280  }
0x11: {  	[sflag:s11] =	ssyncset.done $0x0  }
0x12: {  	[sflag:s11] =	ssyncadd.s32 $0xFFFFFD80  }
0x13: {  	[tilespmem:s12], [sflag:$0x1] =	stream.linear.gather [hbm4b:s4+s3], $0x400, $0x38;
	[tilespmem:$0x6700] =	vst v63  }
0x14: {  	_ =	swait.ge [sflag:s11], $0x400  }
0x15: {  	[sflag:s11] =	ssyncset.done $0x0  }
0x16: {  	[sflag:s11] =	ssyncadd.s32 $0xFFFFFC00  }
0x17: {  	[tilespmem:s13], [sflag:$0x1] =	stream.linear.gather [hbm4b:s8+s3], $0x4F00, $0x38;
	[tilespmem:$0x6700] =	vst v63  }
0x18: {  	_ =	swait.ge [sflag:s11], $0x4F00  }
0x19: {  	[sflag:s11] =	ssyncset.done $0x0  }
0x1a: {  	[sflag:s11] =	ssyncadd.s32 $0xFFFFB100  }
0x1b: {  	s16 =	simm.s32 $0x1400;
	[bflag:$0x0] =	sbarrier.arrive $0xFFFF  }
0x1c: {  	[spmem:s2] =	stream.indirect.scatter.add.f32 [tilespmem:s12], [sflag:$0x1], $0x8, s16, s14, $0xb8;
	[tilespmem:$0x6700] =	vst v63  }
0x1d: {  	s16 =	simm.s32 $0x200;
	_ =	swait.ge [sflag:s11], $0x400  }
.LBB2_2:
0x1e: {  	s17 =	sshra.s32 s16, $0x2;
	[sflag:s11] =	ssyncset.done $0x0;
	p0 =	sne.s32 s16, $0x13A00  }
.Ltmp0:
0x1f: {  	s17 =	sadd.s32 $0x1400, s17;
	[sflag:s11] =	ssyncadd.s32 $0xFFFFFC00;
	(pc) =	sbr.rel @p0 .LBB2_2-.Ltmp0, $3  }
0x20: {  	[spmem:s2] =	stream.indirect.scatter.add.f32 [tilespmem:s12], [sflag:$0x1], $0x8, s17, s14, $0xb8;
	[tilespmem:$0x6700] =	vst v63  }
0x21: {  	s16 =	sadd.s32 $0x200, s16;
	_ =	sdelay $0x1  }
0x22: {  	_ =	swait.ge [sflag:s11], $0x400  }
0x23: {  	[sflag:s11] =	ssyncset.done $0x0;
	s15 =	sadd.s32 $0x1, s15  }
0x24: {  	[sflag:s11] =	ssyncadd.s32 $0xFFFFFC00;
	p0 =	sne.s32 s15, s7  }
.Ltmp1:
0x25: {  	[bflag:$0x0] =	sbarrier.arrive $0xFFFF;
	(pc) =	sbr.rel @p0 .LBB2_1-.Ltmp1, $4  }
0x26: {  	[hbm:s9], [sflag:s6] =	dma.local [spmem:s10], $0x280  }
0x27: {  	_ =	swait.ge [sflag:s11], $0x280  }
0x28: {  	[sflag:s11] =	ssyncset.done $0x0  }
0x29: {  	[sflag:s11] =	ssyncadd.s32 $0xFFFFFD80  }
0x2a: {  	_ =	sfence.sel $0x180000  }
0x2b: {  	[bflag:$0x0] =	sbarrier.arrive $0xFFFF  }
0x2c: {  	p0 =	sne.s32 s1, $0x0;
	_ =	strace $0x90000047  }
0x2d: {  	s0 =	sadd.s32 @!p0 $0x100000, s0;
	[bflag:$0x2] =	sbarrier.arrive $0xFFFF  }
0x2e: {  	[sflag:s0] =	ssyncadd.tile.s32 @!p0 $0x1;
	_ =	shalt  }
.Lfunc_end2:
_tile_overlayer_lowered:
.L_overlay_start_2:
0x2f: {  	(tag) =	ssettag $0x2  }
0x30: {  	s0 =	rddreg [dreg:$0x0];
	s2 =	stileid.u32  }
0x31: {  	s1 =	rddreg [dreg:$0x1];
	p0 =	sne.s32 s2, $0x0  }
0x32: {  	s3 =	rddreg [dreg:$0x2];
	[bflag:$0x3] =	sbarrier.arrive $0xFFFF;
	s2 =	simm.s32 @!p0 $0x1C01  }
0x33: {  	[timem:s3], [sflag:s2] =	dma.local @!p0 [hbm:s0], s1  }
0x34: {  	s0 =	simm.s32 @!p0 $0x1  }
0x35: {  	_ =	swait.ge @!p0 [sflag:s0], s1  }
0x36: {  	s1 =	ssub.s32 @!p0 $0x0, s1;
	[sflag:s0] =	ssyncset.done @!p0 $0x0  }
0x37: {  	[sflag:s0] =	ssyncadd.s32 @!p0 s1  }
0x38: {  	[bflag:$0x3] =	sbarrier.arrive $0xFFFF  }
0x39: {  	_ =	shalt  }

</sc_bundles>
